<compile_context>
chip_gen: v7x
topology: tpu7x:2x2x1
jax: 0.10.2.dev20260603
libtpu: 0.0.44.dev20260713+nightly
codegen_flags: <defaults>
</compile_context>

<pallas_src>
import functools

import jax
import jax.numpy as jnp
from jax import lax
from jax.experimental import pallas as pl
from jax.experimental.pallas import tpu as pltpu
from jax.experimental.pallas import tpu_sc as plsc

V = 1000000
D = 64
NC = 2
NS = 16
NW = NC * NS
L = 16

NFULL = V // 128
NREM = V - NFULL * 128
NK1 = NFULL // NW + 1


def _full16(x):
  return jnp.full((L,), x, jnp.int32)


def _transpose_into(src, dst, n_src_rows):
  n_dst_vregs = dst.shape[0] // L
  row_ids = [lax.iota(jnp.int32, L) + L * m for m in range(n_dst_vregs)]

  def body(r2, carry):
    for u in range(2):
      r = r2 * 2 + u
      rcol = _full16(r)
      vs = [src[r, pl.ds(L * m, L)] for m in range(n_dst_vregs)]
      for m in range(n_dst_vregs):
        plsc.store_scatter(dst, [row_ids[m], rcol], vs[m])
    return carry

  lax.fori_loop(0, n_src_rows // 2, body, None)


@functools.partial(
    pl.kernel,
    mesh=plsc.VectorSubcoreMesh(core_axis_name="c", subcore_axis_name="s"),
    out_type=jax.ShapeDtypeStruct((V, 128), jnp.float32),
    compiler_params=pltpu.CompilerParams(
        use_tc_tiling_on_sc=True, needs_layout_passes=False, disable_bounds_checks=True),
    scratch_types=[
        pltpu.VMEM((D, 128), jnp.float32),
        pltpu.VMEM((D, 128), jnp.float32),
        pltpu.VMEM((128, 129), jnp.float32),
        pltpu.VMEM((128, 129), jnp.float32),
        pltpu.SemaphoreType.DMA,
        pltpu.SemaphoreType.DMA,
        pltpu.SemaphoreType.DMA,
        pltpu.SemaphoreType.DMA,
    ],
)
def _table_rm(t_hbm, rem_hbm, out_hbm, in0, in1, tr0, tr1, isem0, isem1,
              osem0, osem1):
  wid = lax.axis_index("s") * NC + lax.axis_index("c")
  ins = (in0, in1)
  trs = (tr0, tr1)
  isems = (isem0, isem1)
  osems = (osem0, osem1)

  def fire_in(k, s):
    j = wid + k * NW

    @pl.when(j < NFULL)
    def _():
      pltpu.async_copy(t_hbm.at[:, pl.ds(j * 128, 128)], ins[s], isems[s])

  fire_in(0, 0)

  def pair_body(p, carry):
    for s in range(2):
      k = 2 * p + s
      j = wid + k * NW
      fire_in(k + 1, 1 - s)

      @pl.when(j < NFULL)
      def _():
        pltpu.make_async_copy(
            t_hbm.at[:, pl.ds(0, 128)], ins[s], isems[s]).wait()

        @pl.when(k >= 2)
        def _():
          pltpu.make_async_copy(
              trs[s].at[:, pl.ds(0, 128)], out_hbm.at[pl.ds(0, 128)], osems[s]).wait()

        _transpose_into(ins[s], trs[s], D)
        pltpu.async_copy(trs[s].at[:, pl.ds(0, 128)], out_hbm.at[pl.ds(j * 128, 128)], osems[s])

    return carry

  lax.fori_loop(0, (NK1 + 1) // 2, pair_body, None)
  for s in range(2):
    pltpu.make_async_copy(trs[s].at[:, pl.ds(0, 128)], out_hbm.at[pl.ds(0, 128)], osems[s]).wait()

  @pl.when(wid == NW - 1)
  def _():
    pltpu.sync_copy(rem_hbm, in0)
    pltpu.sync_copy(in0, out_hbm.at[pl.ds(NFULL * 128, NREM)])


def _make_gather(b: int, t: int):
  jb = b // NW

  @functools.partial(
      pl.kernel,
      mesh=plsc.VectorSubcoreMesh(core_axis_name="c", subcore_axis_name="s"),
      out_type=jax.ShapeDtypeStruct((t, D, b), jnp.float32),
      compiler_params=pltpu.CompilerParams(
          use_tc_tiling_on_sc=True, needs_layout_passes=False, disable_bounds_checks=True),
      scratch_types=[
          pltpu.VMEM((t, jb), jnp.int32),
          pltpu.VMEM((jb, 128), jnp.float32),
          pltpu.VMEM((jb, 128), jnp.float32),
          pltpu.VMEM((D, jb + 1), jnp.float32),
          pltpu.VMEM((D, jb + 1), jnp.float32),
          pltpu.SemaphoreType.DMA,
          pltpu.SemaphoreType.DMA,
          pltpu.SemaphoreType.DMA,
          pltpu.SemaphoreType.DMA,
      ],
  )
  def gather_kernel(table_hbm, idx_hbm, out_hbm, idx_v, rows0, rows1, tr0,
                    tr1, gsem0, gsem1, osem0, osem1):
    wid = lax.axis_index("s") * NC + lax.axis_index("c")
    rows = (rows0, rows1)
    trs = (tr0, tr1)
    gsems = (gsem0, gsem1)
    osems = (osem0, osem1)
    col0 = wid * jb
    pltpu.sync_copy(idx_hbm.at[:, pl.ds(col0, jb)], idx_v)

    def fire_gather(tt, s):
      pltpu.async_copy(table_hbm.at[idx_v.at[tt]], rows[s], gsems[s])

    fire_gather(0, 0)

    def pair_body(p, carry):
      for s in range(2):
        tt = 2 * p + s

        @pl.when(tt + 1 < t)
        def _():
          fire_gather(tt + 1, 1 - s)

        pltpu.make_async_copy(
            table_hbm.at[idx_v.at[0]], rows[s], gsems[s]).wait()

        @pl.when(tt >= 2)
        def _():
          pltpu.make_async_copy(
              trs[s].at[:, pl.ds(0, jb)], out_hbm.at[0, :, pl.ds(col0, jb)], osems[s]).wait()

        _transpose_into(rows[s], trs[s], jb)
        pltpu.async_copy(trs[s].at[:, pl.ds(0, jb)], out_hbm.at[tt, :, pl.ds(col0, jb)], osems[s])
      return carry

    lax.fori_loop(0, t // 2, pair_body, None)
    for s in range(2):
      pltpu.make_async_copy(
          trs[s].at[:, pl.ds(0, jb)], out_hbm.at[0, :, pl.ds(col0, jb)], osems[s]).wait()

  return gather_kernel


def kernel(token_ids, embeddings):
  b, t = token_ids.shape
  t_feat_major = embeddings.T
  idx_t = token_ids.T.astype(jnp.int32)
  rem_pad = jnp.pad(embeddings[V - NREM:], ((0, 0), (0, 128 - D)))
  table_rm = _table_rm(t_feat_major, rem_pad)
  out_t = _make_gather(b, t)(table_rm, idx_t)
  return jnp.transpose(out_t, (2, 0, 1))

# --- scband reference (transcript-rebuilt; emitter-appended) ---
"""Pipeline reference for scband-embedding-8924942041420 (READ-ONLY COPY).

The authoritative reference and input builder live on the scoring server;
editing this copy changes nothing except your own understanding.
"""

import jax, jax.numpy as jnp
import numpy as np

NUM_EMBEDDINGS = 1000000
EMBEDDING_DIM = 64

def setup_inputs(seed: int = 0) -> dict:
    key = jax.random.key(seed)
    k1, k2 = jax.random.split(key)
    token_ids = jax.random.randint(k1, (4096, 200), 0, NUM_EMBEDDINGS, dtype=jnp.int64 if jax.config.read('jax_enable_x64') else jnp.int32)
    # trunc_normal_(mean=0, std=1, a=-3, b=3) approximated via truncated normal
    embeddings = jax.random.truncated_normal(k2, -3.0, 3.0, (NUM_EMBEDDINGS, EMBEDDING_DIM), dtype=jnp.float32)
    return {"token_ids": token_ids, "embeddings": embeddings}

def reference(token_ids, embeddings):
    # einx.get_at('[v] d, ... t -> ... t d', embeddings, token_ids) == embeddings[token_ids]
    return jnp.take(embeddings, token_ids, axis=0)

if __name__ == "__main__":
    import jax
    _d = setup_inputs()
    print(jax.jit(kernel)(*tuple(_d.values())))

</pallas_src>

<mosaic_0001>
#map = affine_map<(d0, d1) -> (0, 0)>
module attributes {stable_mosaic.version = 14 : i64} {
  func.func @_table_rm(%arg0: i32, %arg1: i32, %arg2: memref<64x1000000xf32, #tpu.memory_space<hbm>>, %arg3: memref<64x128xf32, #tpu.memory_space<hbm>>, %arg4: memref<1000000x128xf32, #tpu.memory_space<hbm>>, %arg5: memref<64x128xf32, #tpu.memory_space<vmem>>, %arg6: memref<64x128xf32, #tpu.memory_space<vmem>>, %arg7: memref<128x129xf32, #tpu.memory_space<vmem>>, %arg8: memref<128x129xf32, #tpu.memory_space<vmem>>, %arg9: memref<!tpu.dma_semaphore, #tpu.memory_space<semaphore_mem>>, %arg10: memref<!tpu.dma_semaphore, #tpu.memory_space<semaphore_mem>>, %arg11: memref<!tpu.dma_semaphore, #tpu.memory_space<semaphore_mem>>, %arg12: memref<!tpu.dma_semaphore, #tpu.memory_space<semaphore_mem>>) attributes {dimension_semantics = [#tpu.dimension_semantics<core_parallel>, #tpu.dimension_semantics<subcore_parallel>], iteration_bounds = array<i64: 2, 16>, scalar_prefetch = 0 : i64, scratch_operands = 8 : i64, tpu.core_type = #tpu.core_type<sc_vector_subcore>, window_params = [{transform_indices = #map}, {transform_indices = #map}, {transform_indices = #map}]} {
    %mul3A = arith.constant 2 : i32
    %mul3A_0 = arith.muli %arg1, %mul3A : i32
    %add3A = arith.addi %mul3A_0, %arg0 : i32
    %add3A_1 = arith.constant 0 : i32
    %add3A_2 = arith.addi %add3A, %add3A_1 : i32
    %lt3A = arith.constant 7812 : i32
    %lt3A_3 = arith.cmpi slt, %add3A_2, %lt3A : i32
    %convert_element_type3A = arith.extui %lt3A_3 : i1 to i32
    %cond3A = arith.constant 0 : i32
    %cond3A_4 = arith.cmpi ne, %convert_element_type3A, %cond3A : i32
    scf.if %cond3A_4 {
      %mul3A_36 = arith.constant 128 : i32
      %mul3A_37 = arith.muli %add3A_2, %mul3A_36 : i32
      %dma_start3A = arith.constant 0 : i32
      %dma_start3A_38 = tpu.memref_slice %arg2[%dma_start3A, %mul3A_37] : memref<64x1000000xf32, #tpu.memory_space<hbm>> -> memref<64x128xf32, #tpu.memory_space<hbm>>
      %dma_start3A_39 = arith.constant 0 : i32
      %dma_start3A_40 = tpu.memref_slice %arg2[%dma_start3A_39, %mul3A_37] : memref<64x1000000xf32, #tpu.memory_space<hbm>> -> memref<64x128xf32, #tpu.memory_space<hbm>>
      tpu.enqueue_dma source(%dma_start3A_40 : memref<64x128xf32, #tpu.memory_space<hbm>>) target(%arg5 : memref<64x128xf32, #tpu.memory_space<vmem>>) target_semaphore(%arg9 : memref<!tpu.dma_semaphore, #tpu.memory_space<semaphore_mem>>)
    } else {
    }
    %scan3A = arith.constant 0 : i32
    %scan3A_5 = arith.constant 123 : i32
    %scan3A_6 = arith.addi %scan3A, %scan3A_5 : i32
    %scan3A_7 = arith.constant 1 : i32
    scf.for %scan3A_36 = %scan3A to %scan3A_6 step %scan3A_7  : i32 {
      %mul3A_37 = arith.constant 2 : i32
      %mul3A_38 = arith.muli %mul3A_37, %scan3A_36 : i32
      %add3A_39 = arith.constant 0 : i32
      %add3A_40 = arith.addi %mul3A_38, %add3A_39 : i32
      %mul3A_41 = arith.constant 32 : i32
      %mul3A_42 = arith.muli %add3A_40, %mul3A_41 : i32
      %add3A_43 = arith.addi %add3A, %mul3A_42 : i32
      %add3A_44 = arith.constant 1 : i32
      %add3A_45 = arith.addi %add3A_40, %add3A_44 : i32
      %mul3A_46 = arith.constant 32 : i32
      %mul3A_47 = arith.muli %add3A_45, %mul3A_46 : i32
      %add3A_48 = arith.addi %add3A, %mul3A_47 : i32
      %lt3A_49 = arith.constant 7812 : i32
      %lt3A_50 = arith.cmpi slt, %add3A_48, %lt3A_49 : i32
      %convert_element_type3A_51 = arith.extui %lt3A_50 : i1 to i32
      %cond3A_52 = arith.constant 0 : i32
      %cond3A_53 = arith.cmpi ne, %convert_element_type3A_51, %cond3A_52 : i32
      scf.if %cond3A_53 {
        %mul3A_81 = arith.constant 128 : i32
        %mul3A_82 = arith.muli %add3A_48, %mul3A_81 : i32
        %dma_start3A = arith.constant 0 : i32
        %dma_start3A_83 = tpu.memref_slice %arg2[%dma_start3A, %mul3A_82] : memref<64x1000000xf32, #tpu.memory_space<hbm>> -> memref<64x128xf32, #tpu.memory_space<hbm>>
        %dma_start3A_84 = arith.constant 0 : i32
        %dma_start3A_85 = tpu.memref_slice %arg2[%dma_start3A_84, %mul3A_82] : memref<64x1000000xf32, #tpu.memory_space<hbm>> -> memref<64x128xf32, #tpu.memory_space<hbm>>
        tpu.enqueue_dma source(%dma_start3A_85 : memref<64x128xf32, #tpu.memory_space<hbm>>) target(%arg6 : memref<64x128xf32, #tpu.memory_space<vmem>>) target_semaphore(%arg10 : memref<!tpu.dma_semaphore, #tpu.memory_space<semaphore_mem>>)
      } else {
      }
      %lt3A_54 = arith.constant 7812 : i32
      %lt3A_55 = arith.cmpi slt, %add3A_43, %lt3A_54 : i32
      %convert_element_type3A_56 = arith.extui %lt3A_55 : i1 to i32
      %cond3A_57 = arith.constant 0 : i32
      %cond3A_58 = arith.cmpi ne, %convert_element_type3A_56, %cond3A_57 : i32
      scf.if %cond3A_58 {
        %dma_wait3A_81 = arith.constant 0 : i32
        %dma_wait3A_82 = arith.constant 0 : i32
        %dma_wait3A_83 = tpu.memref_slice %arg2[%dma_wait3A_81, %dma_wait3A_82] : memref<64x1000000xf32, #tpu.memory_space<hbm>> -> memref<64x128xf32, #tpu.memory_space<hbm>>
        %dma_wait3A_84 = arith.constant 0 : i32
        %dma_wait3A_85 = arith.constant 0 : i32
        %dma_wait3A_86 = tpu.memref_slice %arg2[%dma_wait3A_84, %dma_wait3A_85] : memref<64x1000000xf32, #tpu.memory_space<hbm>> -> memref<64x128xf32, #tpu.memory_space<hbm>>
        tpu.wait_dma2 semaphore(%arg9 : memref<!tpu.dma_semaphore, #tpu.memory_space<semaphore_mem>>) src(%dma_wait3A_86 : memref<64x128xf32, #tpu.memory_space<hbm>>) dst(%arg5 : memref<64x128xf32, #tpu.memory_space<vmem>>)
        %ge3A = arith.constant 2 : i32
        %ge3A_87 = arith.cmpi sge, %add3A_40, %ge3A : i32
        %convert_element_type3A_88 = arith.extui %ge3A_87 : i1 to i32
        %cond3A_89 = arith.constant 0 : i32
        %cond3A_90 = arith.cmpi ne, %convert_element_type3A_88, %cond3A_89 : i32
        scf.if %cond3A_90 {
          %dma_wait3A_138 = arith.constant 0 : i32
          %dma_wait3A_139 = arith.constant 0 : i32
          %dma_wait3A_140 = tpu.memref_slice %arg7[%dma_wait3A_138, %dma_wait3A_139] : memref<128x129xf32, #tpu.memory_space<vmem>> -> memref<128x128xf32, #tpu.memory_space<vmem>>
          %dma_wait3A_141 = arith.constant 0 : i32
          %dma_wait3A_142 = arith.constant 0 : i32
          %dma_wait3A_143 = tpu.memref_slice %arg4[%dma_wait3A_141, %dma_wait3A_142] : memref<1000000x128xf32, #tpu.memory_space<hbm>> -> memref<128x128xf32, #tpu.memory_space<hbm>>
          %dma_wait3A_144 = arith.constant 0 : i32
          %dma_wait3A_145 = arith.constant 0 : i32
          %dma_wait3A_146 = tpu.memref_slice %arg4[%dma_wait3A_144, %dma_wait3A_145] : memref<1000000x128xf32, #tpu.memory_space<hbm>> -> memref<128x128xf32, #tpu.memory_space<hbm>>
          %dma_wait3A_147 = arith.constant 0 : i32
          %dma_wait3A_148 = arith.constant 0 : i32
          %dma_wait3A_149 = tpu.memref_slice %arg7[%dma_wait3A_147, %dma_wait3A_148] : memref<128x129xf32, #tpu.memory_space<vmem>> -> memref<128x128xf32, #tpu.memory_space<vmem>>
          tpu.wait_dma2 semaphore(%arg11 : memref<!tpu.dma_semaphore, #tpu.memory_space<semaphore_mem>>) src(%dma_wait3A_149 : memref<128x128xf32, #tpu.memory_space<vmem>>) dst(%dma_wait3A_146 : memref<128x128xf32, #tpu.memory_space<hbm>>)
        } else {
        }
        %iota3A = tpu.iota {dimensions = array<i32: 0>} : vector<16xi32>
        %add3A_91 = arith.constant 0 : i32
        %add3A_92 = vector.broadcast %add3A_91 : i32 to vector<16xi32>
        %add3A_93 = arith.addi %iota3A, %add3A_92 : vector<16xi32>
        %iota3A_94 = tpu.iota {dimensions = array<i32: 0>} : vector<16xi32>
        %add3A_95 = arith.constant 16 : i32
        %add3A_96 = vector.broadcast %add3A_95 : i32 to vector<16xi32>
        %add3A_97 = arith.addi %iota3A_94, %add3A_96 : vector<16xi32>
        %iota3A_98 = tpu.iota {dimensions = array<i32: 0>} : vector<16xi32>
        %add3A_99 = arith.constant 32 : i32
        %add3A_100 = vector.broadcast %add3A_99 : i32 to vector<16xi32>
        %add3A_101 = arith.addi %iota3A_98, %add3A_100 : vector<16xi32>
        %iota3A_102 = tpu.iota {dimensions = array<i32: 0>} : vector<16xi32>
        %add3A_103 = arith.constant 48 : i32
        %add3A_104 = vector.broadcast %add3A_103 : i32 to vector<16xi32>
        %add3A_105 = arith.addi %iota3A_102, %add3A_104 : vector<16xi32>
        %iota3A_106 = tpu.iota {dimensions = array<i32: 0>} : vector<16xi32>
        %add3A_107 = arith.constant 64 : i32
        %add3A_108 = vector.broadcast %add3A_107 : i32 to vector<16xi32>
        %add3A_109 = arith.addi %iota3A_106, %add3A_108 : vector<16xi32>
        %iota3A_110 = tpu.iota {dimensions = array<i32: 0>} : vector<16xi32>
        %add3A_111 = arith.constant 80 : i32
        %add3A_112 = vector.broadcast %add3A_111 : i32 to vector<16xi32>
        %add3A_113 = arith.addi %iota3A_110, %add3A_112 : vector<16xi32>
        %iota3A_114 = tpu.iota {dimensions = array<i32: 0>} : vector<16xi32>
        %add3A_115 = arith.constant 96 : i32
        %add3A_116 = vector.broadcast %add3A_115 : i32 to vector<16xi32>
        %add3A_117 = arith.addi %iota3A_114, %add3A_116 : vector<16xi32>
        %iota3A_118 = tpu.iota {dimensions = array<i32: 0>} : vector<16xi32>
        %add3A_119 = arith.constant 112 : i32
        %add3A_120 = vector.broadcast %add3A_119 : i32 to vector<16xi32>
        %add3A_121 = arith.addi %iota3A_118, %add3A_120 : vector<16xi32>
        %scan3A_122 = arith.constant 0 : i32
        %scan3A_123 = arith.constant 32 : i32
        %scan3A_124 = arith.addi %scan3A_122, %scan3A_123 : i32
        %scan3A_125 = arith.constant 1 : i32
        scf.for %scan3A_138 = %scan3A_122 to %scan3A_124 step %scan3A_125  : i32 {
          %mul3A_139 = arith.constant 2 : i32
          %mul3A_140 = arith.muli %scan3A_138, %mul3A_139 : i32
          %add3A_141 = arith.constant 0 : i32
          %add3A_142 = arith.addi %mul3A_140, %add3A_141 : i32
          %broadcast_in_dim3A = vector.broadcast %add3A_142 : i32 to vector<16xi32>
          %get3A = arith.index_cast %add3A_142 : i32 to index
          %get3A_143 = arith.constant 0 : index
          %get3A_144 = tpu.vector_load %arg5[%get3A, %get3A_143] {strides = array<i32>} : memref<64x128xf32, #tpu.memory_space<vmem>>, vector<16xf32>,
          %get3A_145 = arith.index_cast %add3A_142 : i32 to index
          %get3A_146 = arith.constant 16 : index
          %get3A_147 = tpu.vector_load %arg5[%get3A_145, %get3A_146] {strides = array<i32>} : memref<64x128xf32, #tpu.memory_space<vmem>>, vector<16xf32>,
          %get3A_148 = arith.index_cast %add3A_142 : i32 to index
          %get3A_149 = arith.constant 32 : index
          %get3A_150 = tpu.vector_load %arg5[%get3A_148, %get3A_149] {strides = array<i32>} : memref<64x128xf32, #tpu.memory_space<vmem>>, vector<16xf32>,
          %get3A_151 = arith.index_cast %add3A_142 : i32 to index
          %get3A_152 = arith.constant 48 : index
          %get3A_153 = tpu.vector_load %arg5[%get3A_151, %get3A_152] {strides = array<i32>} : memref<64x128xf32, #tpu.memory_space<vmem>>, vector<16xf32>,
          %get3A_154 = arith.index_cast %add3A_142 : i32 to index
          %get3A_155 = arith.constant 64 : index
          %get3A_156 = tpu.vector_load %arg5[%get3A_154, %get3A_155] {strides = array<i32>} : memref<64x128xf32, #tpu.memory_space<vmem>>, vector<16xf32>,
          %get3A_157 = arith.index_cast %add3A_142 : i32 to index
          %get3A_158 = arith.constant 80 : index
          %get3A_159 = tpu.vector_load %arg5[%get3A_157, %get3A_158] {strides = array<i32>} : memref<64x128xf32, #tpu.memory_space<vmem>>, vector<16xf32>,
          %get3A_160 = arith.index_cast %add3A_142 : i32 to index
          %get3A_161 = arith.constant 96 : index
          %get3A_162 = tpu.vector_load %arg5[%get3A_160, %get3A_161] {strides = array<i32>} : memref<64x128xf32, #tpu.memory_space<vmem>>, vector<16xf32>,
          %get3A_163 = arith.index_cast %add3A_142 : i32 to index
          %get3A_164 = arith.constant 112 : index
          %get3A_165 = tpu.vector_load %arg5[%get3A_163, %get3A_164] {strides = array<i32>} : memref<64x128xf32, #tpu.memory_space<vmem>>, vector<16xf32>,
          tpu.vector_store_idx %arg7[%add3A_93, %broadcast_in_dim3A], %get3A_144 : memref<128x129xf32, #tpu.memory_space<vmem>>[vector<16xi32>, vector<16xi32>], vector<16xf32>,
          tpu.vector_store_idx %arg7[%add3A_97, %broadcast_in_dim3A], %get3A_147 : memref<128x129xf32, #tpu.memory_space<vmem>>[vector<16xi32>, vector<16xi32>], vector<16xf32>,
          tpu.vector_store_idx %arg7[%add3A_101, %broadcast_in_dim3A], %get3A_150 : memref<128x129xf32, #tpu.memory_space<vmem>>[vector<16xi32>, vector<16xi32>], vector<16xf32>,
          tpu.vector_store_idx %arg7[%add3A_105, %broadcast_in_dim3A], %get3A_153 : memref<128x129xf32, #tpu.memory_space<vmem>>[vector<16xi32>, vector<16xi32>], vector<16xf32>,
          tpu.vector_store_idx %arg7[%add3A_109, %broadcast_in_dim3A], %get3A_156 : memref<128x129xf32, #tpu.memory_space<vmem>>[vector<16xi32>, vector<16xi32>], vector<16xf32>,
          tpu.vector_store_idx %arg7[%add3A_113, %broadcast_in_dim3A], %get3A_159 : memref<128x129xf32, #tpu.memory_space<vmem>>[vector<16xi32>, vector<16xi32>], vector<16xf32>,
          tpu.vector_store_idx %arg7[%add3A_117, %broadcast_in_dim3A], %get3A_162 : memref<128x129xf32, #tpu.memory_space<vmem>>[vector<16xi32>, vector<16xi32>], vector<16xf32>,
          tpu.vector_store_idx %arg7[%add3A_121, %broadcast_in_dim3A], %get3A_165 : memref<128x129xf32, #tpu.memory_space<vmem>>[vector<16xi32>, vector<16xi32>], vector<16xf32>,
          %mul3A_166 = arith.constant 2 : i32
          %mul3A_167 = arith.muli %scan3A_138, %mul3A_166 : i32
          %add3A_168 = arith.constant 1 : i32
          %add3A_169 = arith.addi %mul3A_167, %add3A_168 : i32
          %broadcast_in_dim3A_170 = vector.broadcast %add3A_169 : i32 to vector<16xi32>
          %get3A_171 = arith.index_cast %add3A_169 : i32 to index
          %get3A_172 = arith.constant 0 : index
          %get3A_173 = tpu.vector_load %arg5[%get3A_171, %get3A_172] {strides = array<i32>} : memref<64x128xf32, #tpu.memory_space<vmem>>, vector<16xf32>,
          %get3A_174 = arith.index_cast %add3A_169 : i32 to index
          %get3A_175 = arith.constant 16 : index
          %get3A_176 = tpu.vector_load %arg5[%get3A_174, %get3A_175] {strides = array<i32>} : memref<64x128xf32, #tpu.memory_space<vmem>>, vector<16xf32>,
          %get3A_177 = arith.index_cast %add3A_169 : i32 to index
          %get3A_178 = arith.constant 32 : index
          %get3A_179 = tpu.vector_load %arg5[%get3A_177, %get3A_178] {strides = array<i32>} : memref<64x128xf32, #tpu.memory_space<vmem>>, vector<16xf32>,
          %get3A_180 = arith.index_cast %add3A_169 : i32 to index
          %get3A_181 = arith.constant 48 : index
          %get3A_182 = tpu.vector_load %arg5[%get3A_180, %get3A_181] {strides = array<i32>} : memref<64x128xf32, #tpu.memory_space<vmem>>, vector<16xf32>,
          %get3A_183 = arith.index_cast %add3A_169 : i32 to index
          %get3A_184 = arith.constant 64 : index
          %get3A_185 = tpu.vector_load %arg5[%get3A_183, %get3A_184] {strides = array<i32>} : memref<64x128xf32, #tpu.memory_space<vmem>>, vector<16xf32>,
          %get3A_186 = arith.index_cast %add3A_169 : i32 to index
          %get3A_187 = arith.constant 80 : index
          %get3A_188 = tpu.vector_load %arg5[%get3A_186, %get3A_187] {strides = array<i32>} : memref<64x128xf32, #tpu.memory_space<vmem>>, vector<16xf32>,
          %get3A_189 = arith.index_cast %add3A_169 : i32 to index
          %get3A_190 = arith.constant 96 : index
          %get3A_191 = tpu.vector_load %arg5[%get3A_189, %get3A_190] {strides = array<i32>} : memref<64x128xf32, #tpu.memory_space<vmem>>, vector<16xf32>,
          %get3A_192 = arith.index_cast %add3A_169 : i32 to index
          %get3A_193 = arith.constant 112 : index
          %get3A_194 = tpu.vector_load %arg5[%get3A_192, %get3A_193] {strides = array<i32>} : memref<64x128xf32, #tpu.memory_space<vmem>>, vector<16xf32>,
          tpu.vector_store_idx %arg7[%add3A_93, %broadcast_in_dim3A_170], %get3A_173 : memref<128x129xf32, #tpu.memory_space<vmem>>[vector<16xi32>, vector<16xi32>], vector<16xf32>,
          tpu.vector_store_idx %arg7[%add3A_97, %broadcast_in_dim3A_170], %get3A_176 : memref<128x129xf32, #tpu.memory_space<vmem>>[vector<16xi32>, vector<16xi32>], vector<16xf32>,
          tpu.vector_store_idx %arg7[%add3A_101, %broadcast_in_dim3A_170], %get3A_179 : memref<128x129xf32, #tpu.memory_space<vmem>>[vector<16xi32>, vector<16xi32>], vector<16xf32>,
          tpu.vector_store_idx %arg7[%add3A_105, %broadcast_in_dim3A_170], %get3A_182 : memref<128x129xf32, #tpu.memory_space<vmem>>[vector<16xi32>, vector<16xi32>], vector<16xf32>,
          tpu.vector_store_idx %arg7[%add3A_109, %broadcast_in_dim3A_170], %get3A_185 : memref<128x129xf32, #tpu.memory_space<vmem>>[vector<16xi32>, vector<16xi32>], vector<16xf32>,
          tpu.vector_store_idx %arg7[%add3A_113, %broadcast_in_dim3A_170], %get3A_188 : memref<128x129xf32, #tpu.memory_space<vmem>>[vector<16xi32>, vector<16xi32>], vector<16xf32>,
          tpu.vector_store_idx %arg7[%add3A_117, %broadcast_in_dim3A_170], %get3A_191 : memref<128x129xf32, #tpu.memory_space<vmem>>[vector<16xi32>, vector<16xi32>], vector<16xf32>,
          tpu.vector_store_idx %arg7[%add3A_121, %broadcast_in_dim3A_170], %get3A_194 : memref<128x129xf32, #tpu.memory_space<vmem>>[vector<16xi32>, vector<16xi32>], vector<16xf32>,
        }
        %scan3A_126 = arith.constant 32 : i32
        %mul3A_127 = arith.constant 128 : i32
        %mul3A_128 = arith.muli %add3A_43, %mul3A_127 : i32
        %dma_start3A = arith.constant 0 : i32
        %dma_start3A_129 = arith.constant 0 : i32
        %dma_start3A_130 = tpu.memref_slice %arg7[%dma_start3A, %dma_start3A_129] : memref<128x129xf32, #tpu.memory_space<vmem>> -> memref<128x128xf32, #tpu.memory_space<vmem>>
        %dma_start3A_131 = arith.constant 0 : i32
        %dma_start3A_132 = tpu.memref_slice %arg4[%mul3A_128, %dma_start3A_131] : memref<1000000x128xf32, #tpu.memory_space<hbm>> -> memref<128x128xf32, #tpu.memory_space<hbm>>
        %dma_start3A_133 = arith.constant 0 : i32
        %dma_start3A_134 = tpu.memref_slice %arg4[%mul3A_128, %dma_start3A_133] : memref<1000000x128xf32, #tpu.memory_space<hbm>> -> memref<128x128xf32, #tpu.memory_space<hbm>>
        %dma_start3A_135 = arith.constant 0 : i32
        %dma_start3A_136 = arith.constant 0 : i32
        %dma_start3A_137 = tpu.memref_slice %arg7[%dma_start3A_135, %dma_start3A_136] : memref<128x129xf32, #tpu.memory_space<vmem>> -> memref<128x128xf32, #tpu.memory_space<vmem>>
        tpu.enqueue_dma source(%dma_start3A_137 : memref<128x128xf32, #tpu.memory_space<vmem>>) target(%dma_start3A_134 : memref<128x128xf32, #tpu.memory_space<hbm>>) target_semaphore(%arg11 : memref<!tpu.dma_semaphore, #tpu.memory_space<semaphore_mem>>)
      } else {
      }
      %mul3A_59 = arith.constant 2 : i32
      %mul3A_60 = arith.muli %mul3A_59, %scan3A_36 : i32
      %add3A_61 = arith.constant 1 : i32
      %add3A_62 = arith.addi %mul3A_60, %add3A_61 : i32
      %mul3A_63 = arith.constant 32 : i32
      %mul3A_64 = arith.muli %add3A_62, %mul3A_63 : i32
      %add3A_65 = arith.addi %add3A, %mul3A_64 : i32
      %add3A_66 = arith.constant 1 : i32
      %add3A_67 = arith.addi %add3A_62, %add3A_66 : i32
      %mul3A_68 = arith.constant 32 : i32
      %mul3A_69 = arith.muli %add3A_67, %mul3A_68 : i32
      %add3A_70 = arith.addi %add3A, %mul3A_69 : i32
      %lt3A_71 = arith.constant 7812 : i32
      %lt3A_72 = arith.cmpi slt, %add3A_70, %lt3A_71 : i32
      %convert_element_type3A_73 = arith.extui %lt3A_72 : i1 to i32
      %cond3A_74 = arith.constant 0 : i32
      %cond3A_75 = arith.cmpi ne, %convert_element_type3A_73, %cond3A_74 : i32
      scf.if %cond3A_75 {
        %mul3A_81 = arith.constant 128 : i32
        %mul3A_82 = arith.muli %add3A_70, %mul3A_81 : i32
        %dma_start3A = arith.constant 0 : i32
        %dma_start3A_83 = tpu.memref_slice %arg2[%dma_start3A, %mul3A_82] : memref<64x1000000xf32, #tpu.memory_space<hbm>> -> memref<64x128xf32, #tpu.memory_space<hbm>>
        %dma_start3A_84 = arith.constant 0 : i32
        %dma_start3A_85 = tpu.memref_slice %arg2[%dma_start3A_84, %mul3A_82] : memref<64x1000000xf32, #tpu.memory_space<hbm>> -> memref<64x128xf32, #tpu.memory_space<hbm>>
        tpu.enqueue_dma source(%dma_start3A_85 : memref<64x128xf32, #tpu.memory_space<hbm>>) target(%arg5 : memref<64x128xf32, #tpu.memory_space<vmem>>) target_semaphore(%arg9 : memref<!tpu.dma_semaphore, #tpu.memory_space<semaphore_mem>>)
      } else {
      }
      %lt3A_76 = arith.constant 7812 : i32
      %lt3A_77 = arith.cmpi slt, %add3A_65, %lt3A_76 : i32
      %convert_element_type3A_78 = arith.extui %lt3A_77 : i1 to i32
      %cond3A_79 = arith.constant 0 : i32
      %cond3A_80 = arith.cmpi ne, %convert_element_type3A_78, %cond3A_79 : i32
      scf.if %cond3A_80 {
        %dma_wait3A_81 = arith.constant 0 : i32
        %dma_wait3A_82 = arith.constant 0 : i32
        %dma_wait3A_83 = tpu.memref_slice %arg2[%dma_wait3A_81, %dma_wait3A_82] : memref<64x1000000xf32, #tpu.memory_space<hbm>> -> memref<64x128xf32, #tpu.memory_space<hbm>>
        %dma_wait3A_84 = arith.constant 0 : i32
        %dma_wait3A_85 = arith.constant 0 : i32
        %dma_wait3A_86 = tpu.memref_slice %arg2[%dma_wait3A_84, %dma_wait3A_85] : memref<64x1000000xf32, #tpu.memory_space<hbm>> -> memref<64x128xf32, #tpu.memory_space<hbm>>
        tpu.wait_dma2 semaphore(%arg10 : memref<!tpu.dma_semaphore, #tpu.memory_space<semaphore_mem>>) src(%dma_wait3A_86 : memref<64x128xf32, #tpu.memory_space<hbm>>) dst(%arg6 : memref<64x128xf32, #tpu.memory_space<vmem>>)
        %ge3A = arith.constant 2 : i32
        %ge3A_87 = arith.cmpi sge, %add3A_62, %ge3A : i32
        %convert_element_type3A_88 = arith.extui %ge3A_87 : i1 to i32
        %cond3A_89 = arith.constant 0 : i32
        %cond3A_90 = arith.cmpi ne, %convert_element_type3A_88, %cond3A_89 : i32
        scf.if %cond3A_90 {
          %dma_wait3A_138 = arith.constant 0 : i32
          %dma_wait3A_139 = arith.constant 0 : i32
          %dma_wait3A_140 = tpu.memref_slice %arg8[%dma_wait3A_138, %dma_wait3A_139] : memref<128x129xf32, #tpu.memory_space<vmem>> -> memref<128x128xf32, #tpu.memory_space<vmem>>
          %dma_wait3A_141 = arith.constant 0 : i32
          %dma_wait3A_142 = arith.constant 0 : i32
          %dma_wait3A_143 = tpu.memref_slice %arg4[%dma_wait3A_141, %dma_wait3A_142] : memref<1000000x128xf32, #tpu.memory_space<hbm>> -> memref<128x128xf32, #tpu.memory_space<hbm>>
          %dma_wait3A_144 = arith.constant 0 : i32
          %dma_wait3A_145 = arith.constant 0 : i32
          %dma_wait3A_146 = tpu.memref_slice %arg4[%dma_wait3A_144, %dma_wait3A_145] : memref<1000000x128xf32, #tpu.memory_space<hbm>> -> memref<128x128xf32, #tpu.memory_space<hbm>>
          %dma_wait3A_147 = arith.constant 0 : i32
          %dma_wait3A_148 = arith.constant 0 : i32
          %dma_wait3A_149 = tpu.memref_slice %arg8[%dma_wait3A_147, %dma_wait3A_148] : memref<128x129xf32, #tpu.memory_space<vmem>> -> memref<128x128xf32, #tpu.memory_space<vmem>>
          tpu.wait_dma2 semaphore(%arg12 : memref<!tpu.dma_semaphore, #tpu.memory_space<semaphore_mem>>) src(%dma_wait3A_149 : memref<128x128xf32, #tpu.memory_space<vmem>>) dst(%dma_wait3A_146 : memref<128x128xf32, #tpu.memory_space<hbm>>)
        } else {
        }
        %iota3A = tpu.iota {dimensions = array<i32: 0>} : vector<16xi32>
        %add3A_91 = arith.constant 0 : i32
        %add3A_92 = vector.broadcast %add3A_91 : i32 to vector<16xi32>
        %add3A_93 = arith.addi %iota3A, %add3A_92 : vector<16xi32>
        %iota3A_94 = tpu.iota {dimensions = array<i32: 0>} : vector<16xi32>
        %add3A_95 = arith.constant 16 : i32
        %add3A_96 = vector.broadcast %add3A_95 : i32 to vector<16xi32>
        %add3A_97 = arith.addi %iota3A_94, %add3A_96 : vector<16xi32>
        %iota3A_98 = tpu.iota {dimensions = array<i32: 0>} : vector<16xi32>
        %add3A_99 = arith.constant 32 : i32
        %add3A_100 = vector.broadcast %add3A_99 : i32 to vector<16xi32>
        %add3A_101 = arith.addi %iota3A_98, %add3A_100 : vector<16xi32>
        %iota3A_102 = tpu.iota {dimensions = array<i32: 0>} : vector<16xi32>
        %add3A_103 = arith.constant 48 : i32
        %add3A_104 = vector.broadcast %add3A_103 : i32 to vector<16xi32>
        %add3A_105 = arith.addi %iota3A_102, %add3A_104 : vector<16xi32>
        %iota3A_106 = tpu.iota {dimensions = array<i32: 0>} : vector<16xi32>
        %add3A_107 = arith.constant 64 : i32
        %add3A_108 = vector.broadcast %add3A_107 : i32 to vector<16xi32>
        %add3A_109 = arith.addi %iota3A_106, %add3A_108 : vector<16xi32>
        %iota3A_110 = tpu.iota {dimensions = array<i32: 0>} : vector<16xi32>
        %add3A_111 = arith.constant 80 : i32
        %add3A_112 = vector.broadcast %add3A_111 : i32 to vector<16xi32>
        %add3A_113 = arith.addi %iota3A_110, %add3A_112 : vector<16xi32>
        %iota3A_114 = tpu.iota {dimensions = array<i32: 0>} : vector<16xi32>
        %add3A_115 = arith.constant 96 : i32
        %add3A_116 = vector.broadcast %add3A_115 : i32 to vector<16xi32>
        %add3A_117 = arith.addi %iota3A_114, %add3A_116 : vector<16xi32>
        %iota3A_118 = tpu.iota {dimensions = array<i32: 0>} : vector<16xi32>
        %add3A_119 = arith.constant 112 : i32
        %add3A_120 = vector.broadcast %add3A_119 : i32 to vector<16xi32>
        %add3A_121 = arith.addi %iota3A_118, %add3A_120 : vector<16xi32>
        %scan3A_122 = arith.constant 0 : i32
        %scan3A_123 = arith.constant 32 : i32
        %scan3A_124 = arith.addi %scan3A_122, %scan3A_123 : i32
        %scan3A_125 = arith.constant 1 : i32
        scf.for %scan3A_138 = %scan3A_122 to %scan3A_124 step %scan3A_125  : i32 {
          %mul3A_139 = arith.constant 2 : i32
          %mul3A_140 = arith.muli %scan3A_138, %mul3A_139 : i32
          %add3A_141 = arith.constant 0 : i32
          %add3A_142 = arith.addi %mul3A_140, %add3A_141 : i32
          %broadcast_in_dim3A = vector.broadcast %add3A_142 : i32 to vector<16xi32>
          %get3A = arith.index_cast %add3A_142 : i32 to index
          %get3A_143 = arith.constant 0 : index
          %get3A_144 = tpu.vector_load %arg6[%get3A, %get3A_143] {strides = array<i32>} : memref<64x128xf32, #tpu.memory_space<vmem>>, vector<16xf32>,
          %get3A_145 = arith.index_cast %add3A_142 : i32 to index
          %get3A_146 = arith.constant 16 : index
          %get3A_147 = tpu.vector_load %arg6[%get3A_145, %get3A_146] {strides = array<i32>} : memref<64x128xf32, #tpu.memory_space<vmem>>, vector<16xf32>,
          %get3A_148 = arith.index_cast %add3A_142 : i32 to index
          %get3A_149 = arith.constant 32 : index
          %get3A_150 = tpu.vector_load %arg6[%get3A_148, %get3A_149] {strides = array<i32>} : memref<64x128xf32, #tpu.memory_space<vmem>>, vector<16xf32>,
          %get3A_151 = arith.index_cast %add3A_142 : i32 to index
          %get3A_152 = arith.constant 48 : index
          %get3A_153 = tpu.vector_load %arg6[%get3A_151, %get3A_152] {strides = array<i32>} : memref<64x128xf32, #tpu.memory_space<vmem>>, vector<16xf32>,
          %get3A_154 = arith.index_cast %add3A_142 : i32 to index
          %get3A_155 = arith.constant 64 : index
          %get3A_156 = tpu.vector_load %arg6[%get3A_154, %get3A_155] {strides = array<i32>} : memref<64x128xf32, #tpu.memory_space<vmem>>, vector<16xf32>,
          %get3A_157 = arith.index_cast %add3A_142 : i32 to index
          %get3A_158 = arith.constant 80 : index
          %get3A_159 = tpu.vector_load %arg6[%get3A_157, %get3A_158] {strides = array<i32>} : memref<64x128xf32, #tpu.memory_space<vmem>>, vector<16xf32>,
          %get3A_160 = arith.index_cast %add3A_142 : i32 to index
          %get3A_161 = arith.constant 96 : index
          %get3A_162 = tpu.vector_load %arg6[%get3A_160, %get3A_161] {strides = array<i32>} : memref<64x128xf32, #tpu.memory_space<vmem>>, vector<16xf32>,
          %get3A_163 = arith.index_cast %add3A_142 : i32 to index
          %get3A_164 = arith.constant 112 : index
          %get3A_165 = tpu.vector_load %arg6[%get3A_163, %get3A_164] {strides = array<i32>} : memref<64x128xf32, #tpu.memory_space<vmem>>, vector<16xf32>,
          tpu.vector_store_idx %arg8[%add3A_93, %broadcast_in_dim3A], %get3A_144 : memref<128x129xf32, #tpu.memory_space<vmem>>[vector<16xi32>, vector<16xi32>], vector<16xf32>,
          tpu.vector_store_idx %arg8[%add3A_97, %broadcast_in_dim3A], %get3A_147 : memref<128x129xf32, #tpu.memory_space<vmem>>[vector<16xi32>, vector<16xi32>], vector<16xf32>,
          tpu.vector_store_idx %arg8[%add3A_101, %broadcast_in_dim3A], %get3A_150 : memref<128x129xf32, #tpu.memory_space<vmem>>[vector<16xi32>, vector<16xi32>], vector<16xf32>,
          tpu.vector_store_idx %arg8[%add3A_105, %broadcast_in_dim3A], %get3A_153 : memref<128x129xf32, #tpu.memory_space<vmem>>[vector<16xi32>, vector<16xi32>], vector<16xf32>,
          tpu.vector_store_idx %arg8[%add3A_109, %broadcast_in_dim3A], %get3A_156 : memref<128x129xf32, #tpu.memory_space<vmem>>[vector<16xi32>, vector<16xi32>], vector<16xf32>,
          tpu.vector_store_idx %arg8[%add3A_113, %broadcast_in_dim3A], %get3A_159 : memref<128x129xf32, #tpu.memory_space<vmem>>[vector<16xi32>, vector<16xi32>], vector<16xf32>,
          tpu.vector_store_idx %arg8[%add3A_117, %broadcast_in_dim3A], %get3A_162 : memref<128x129xf32, #tpu.memory_space<vmem>>[vector<16xi32>, vector<16xi32>], vector<16xf32>,
          tpu.vector_store_idx %arg8[%add3A_121, %broadcast_in_dim3A], %get3A_165 : memref<128x129xf32, #tpu.memory_space<vmem>>[vector<16xi32>, vector<16xi32>], vector<16xf32>,
          %mul3A_166 = arith.constant 2 : i32
          %mul3A_167 = arith.muli %scan3A_138, %mul3A_166 : i32
          %add3A_168 = arith.constant 1 : i32
          %add3A_169 = arith.addi %mul3A_167, %add3A_168 : i32
          %broadcast_in_dim3A_170 = vector.broadcast %add3A_169 : i32 to vector<16xi32>
          %get3A_171 = arith.index_cast %add3A_169 : i32 to index
          %get3A_172 = arith.constant 0 : index
          %get3A_173 = tpu.vector_load %arg6[%get3A_171, %get3A_172] {strides = array<i32>} : memref<64x128xf32, #tpu.memory_space<vmem>>, vector<16xf32>,
          %get3A_174 = arith.index_cast %add3A_169 : i32 to index
          %get3A_175 = arith.constant 16 : index
          %get3A_176 = tpu.vector_load %arg6[%get3A_174, %get3A_175] {strides = array<i32>} : memref<64x128xf32, #tpu.memory_space<vmem>>, vector<16xf32>,
          %get3A_177 = arith.index_cast %add3A_169 : i32 to index
          %get3A_178 = arith.constant 32 : index
          %get3A_179 = tpu.vector_load %arg6[%get3A_177, %get3A_178] {strides = array<i32>} : memref<64x128xf32, #tpu.memory_space<vmem>>, vector<16xf32>,
          %get3A_180 = arith.index_cast %add3A_169 : i32 to index
          %get3A_181 = arith.constant 48 : index
          %get3A_182 = tpu.vector_load %arg6[%get3A_180, %get3A_181] {strides = array<i32>} : memref<64x128xf32, #tpu.memory_space<vmem>>, vector<16xf32>,
          %get3A_183 = arith.index_cast %add3A_169 : i32 to index
          %get3A_184 = arith.constant 64 : index
          %get3A_185 = tpu.vector_load %arg6[%get3A_183, %get3A_184] {strides = array<i32>} : memref<64x128xf32, #tpu.memory_space<vmem>>, vector<16xf32>,
          %get3A_186 = arith.index_cast %add3A_169 : i32 to index
          %get3A_187 = arith.constant 80 : index
          %get3A_188 = tpu.vector_load %arg6[%get3A_186, %get3A_187] {strides = array<i32>} : memref<64x128xf32, #tpu.memory_space<vmem>>, vector<16xf32>,
          %get3A_189 = arith.index_cast %add3A_169 : i32 to index
          %get3A_190 = arith.constant 96 : index
          %get3A_191 = tpu.vector_load %arg6[%get3A_189, %get3A_190] {strides = array<i32>} : memref<64x128xf32, #tpu.memory_space<vmem>>, vector<16xf32>,
          %get3A_192 = arith.index_cast %add3A_169 : i32 to index
          %get3A_193 = arith.constant 112 : index
          %get3A_194 = tpu.vector_load %arg6[%get3A_192, %get3A_193] {strides = array<i32>} : memref<64x128xf32, #tpu.memory_space<vmem>>, vector<16xf32>,
          tpu.vector_store_idx %arg8[%add3A_93, %broadcast_in_dim3A_170], %get3A_173 : memref<128x129xf32, #tpu.memory_space<vmem>>[vector<16xi32>, vector<16xi32>], vector<16xf32>,
          tpu.vector_store_idx %arg8[%add3A_97, %broadcast_in_dim3A_170], %get3A_176 : memref<128x129xf32, #tpu.memory_space<vmem>>[vector<16xi32>, vector<16xi32>], vector<16xf32>,
          tpu.vector_store_idx %arg8[%add3A_101, %broadcast_in_dim3A_170], %get3A_179 : memref<128x129xf32, #tpu.memory_space<vmem>>[vector<16xi32>, vector<16xi32>], vector<16xf32>,
          tpu.vector_store_idx %arg8[%add3A_105, %broadcast_in_dim3A_170], %get3A_182 : memref<128x129xf32, #tpu.memory_space<vmem>>[vector<16xi32>, vector<16xi32>], vector<16xf32>,
          tpu.vector_store_idx %arg8[%add3A_109, %broadcast_in_dim3A_170], %get3A_185 : memref<128x129xf32, #tpu.memory_space<vmem>>[vector<16xi32>, vector<16xi32>], vector<16xf32>,
          tpu.vector_store_idx %arg8[%add3A_113, %broadcast_in_dim3A_170], %get3A_188 : memref<128x129xf32, #tpu.memory_space<vmem>>[vector<16xi32>, vector<16xi32>], vector<16xf32>,
          tpu.vector_store_idx %arg8[%add3A_117, %broadcast_in_dim3A_170], %get3A_191 : memref<128x129xf32, #tpu.memory_space<vmem>>[vector<16xi32>, vector<16xi32>], vector<16xf32>,
          tpu.vector_store_idx %arg8[%add3A_121, %broadcast_in_dim3A_170], %get3A_194 : memref<128x129xf32, #tpu.memory_space<vmem>>[vector<16xi32>, vector<16xi32>], vector<16xf32>,
        }
        %scan3A_126 = arith.constant 32 : i32
        %mul3A_127 = arith.constant 128 : i32
        %mul3A_128 = arith.muli %add3A_65, %mul3A_127 : i32
        %dma_start3A = arith.constant 0 : i32
        %dma_start3A_129 = arith.constant 0 : i32
        %dma_start3A_130 = tpu.memref_slice %arg8[%dma_start3A, %dma_start3A_129] : memref<128x129xf32, #tpu.memory_space<vmem>> -> memref<128x128xf32, #tpu.memory_space<vmem>>
        %dma_start3A_131 = arith.constant 0 : i32
        %dma_start3A_132 = tpu.memref_slice %arg4[%mul3A_128, %dma_start3A_131] : memref<1000000x128xf32, #tpu.memory_space<hbm>> -> memref<128x128xf32, #tpu.memory_space<hbm>>
        %dma_start3A_133 = arith.constant 0 : i32
        %dma_start3A_134 = tpu.memref_slice %arg4[%mul3A_128, %dma_start3A_133] : memref<1000000x128xf32, #tpu.memory_space<hbm>> -> memref<128x128xf32, #tpu.memory_space<hbm>>
        %dma_start3A_135 = arith.constant 0 : i32
        %dma_start3A_136 = arith.constant 0 : i32
        %dma_start3A_137 = tpu.memref_slice %arg8[%dma_start3A_135, %dma_start3A_136] : memref<128x129xf32, #tpu.memory_space<vmem>> -> memref<128x128xf32, #tpu.memory_space<vmem>>
        tpu.enqueue_dma source(%dma_start3A_137 : memref<128x128xf32, #tpu.memory_space<vmem>>) target(%dma_start3A_134 : memref<128x128xf32, #tpu.memory_space<hbm>>) target_semaphore(%arg12 : memref<!tpu.dma_semaphore, #tpu.memory_space<semaphore_mem>>)
      } else {
      }
    }
    %scan3A_8 = arith.constant 123 : i32
    %dma_wait3A = arith.constant 0 : i32
    %dma_wait3A_9 = arith.constant 0 : i32
    %dma_wait3A_10 = tpu.memref_slice %arg7[%dma_wait3A, %dma_wait3A_9] : memref<128x129xf32, #tpu.memory_space<vmem>> -> memref<128x128xf32, #tpu.memory_space<vmem>>
    %dma_wait3A_11 = arith.constant 0 : i32
    %dma_wait3A_12 = arith.constant 0 : i32
    %dma_wait3A_13 = tpu.memref_slice %arg4[%dma_wait3A_11, %dma_wait3A_12] : memref<1000000x128xf32, #tpu.memory_space<hbm>> -> memref<128x128xf32, #tpu.memory_space<hbm>>
    %dma_wait3A_14 = arith.constant 0 : i32
    %dma_wait3A_15 = arith.constant 0 : i32
    %dma_wait3A_16 = tpu.memref_slice %arg4[%dma_wait3A_14, %dma_wait3A_15] : memref<1000000x128xf32, #tpu.memory_space<hbm>> -> memref<128x128xf32, #tpu.memory_space<hbm>>
    %dma_wait3A_17 = arith.constant 0 : i32
    %dma_wait3A_18 = arith.constant 0 : i32
    %dma_wait3A_19 = tpu.memref_slice %arg7[%dma_wait3A_17, %dma_wait3A_18] : memref<128x129xf32, #tpu.memory_space<vmem>> -> memref<128x128xf32, #tpu.memory_space<vmem>>
    tpu.wait_dma2 semaphore(%arg11 : memref<!tpu.dma_semaphore, #tpu.memory_space<semaphore_mem>>) src(%dma_wait3A_19 : memref<128x128xf32, #tpu.memory_space<vmem>>) dst(%dma_wait3A_16 : memref<128x128xf32, #tpu.memory_space<hbm>>)
    %dma_wait3A_20 = arith.constant 0 : i32
    %dma_wait3A_21 = arith.constant 0 : i32
    %dma_wait3A_22 = tpu.memref_slice %arg8[%dma_wait3A_20, %dma_wait3A_21] : memref<128x129xf32, #tpu.memory_space<vmem>> -> memref<128x128xf32, #tpu.memory_space<vmem>>
    %dma_wait3A_23 = arith.constant 0 : i32
    %dma_wait3A_24 = arith.constant 0 : i32
    %dma_wait3A_25 = tpu.memref_slice %arg4[%dma_wait3A_23, %dma_wait3A_24] : memref<1000000x128xf32, #tpu.memory_space<hbm>> -> memref<128x128xf32, #tpu.memory_space<hbm>>
    %dma_wait3A_26 = arith.constant 0 : i32
    %dma_wait3A_27 = arith.constant 0 : i32
    %dma_wait3A_28 = tpu.memref_slice %arg4[%dma_wait3A_26, %dma_wait3A_27] : memref<1000000x128xf32, #tpu.memory_space<hbm>> -> memref<128x128xf32, #tpu.memory_space<hbm>>
    %dma_wait3A_29 = arith.constant 0 : i32
    %dma_wait3A_30 = arith.constant 0 : i32
    %dma_wait3A_31 = tpu.memref_slice %arg8[%dma_wait3A_29, %dma_wait3A_30] : memref<128x129xf32, #tpu.memory_space<vmem>> -> memref<128x128xf32, #tpu.memory_space<vmem>>
    tpu.wait_dma2 semaphore(%arg12 : memref<!tpu.dma_semaphore, #tpu.memory_space<semaphore_mem>>) src(%dma_wait3A_31 : memref<128x128xf32, #tpu.memory_space<vmem>>) dst(%dma_wait3A_28 : memref<128x128xf32, #tpu.memory_space<hbm>>)
    %eq3A = arith.constant 31 : i32
    %eq3A_32 = arith.cmpi eq, %add3A, %eq3A : i32
    %convert_element_type3A_33 = arith.extui %eq3A_32 : i1 to i32
    %cond3A_34 = arith.constant 0 : i32
    %cond3A_35 = arith.cmpi ne, %convert_element_type3A_33, %cond3A_34 : i32
    scf.if %cond3A_35 {
      "tpu.region"() ({
        %run_scoped3A = tpu.sem_alloc : memref<!tpu.dma_semaphore, #tpu.memory_space<semaphore_mem>>
        tpu.enqueue_dma source(%arg3 : memref<64x128xf32, #tpu.memory_space<hbm>>) target(%arg5 : memref<64x128xf32, #tpu.memory_space<vmem>>) target_semaphore(%run_scoped3A : memref<!tpu.dma_semaphore, #tpu.memory_space<semaphore_mem>>)
        tpu.wait_dma2 semaphore(%run_scoped3A : memref<!tpu.dma_semaphore, #tpu.memory_space<semaphore_mem>>) src(%arg3 : memref<64x128xf32, #tpu.memory_space<hbm>>) dst(%arg5 : memref<64x128xf32, #tpu.memory_space<vmem>>)
        tpu.yield
      }) : () -> ()
      "tpu.region"() ({
        %run_scoped3A = tpu.sem_alloc : memref<!tpu.dma_semaphore, #tpu.memory_space<semaphore_mem>>
        %dma_start3A = arith.constant 999936 : i32
        %dma_start3A_36 = arith.constant 0 : i32
        %dma_start3A_37 = tpu.memref_slice %arg4[%dma_start3A, %dma_start3A_36] : memref<1000000x128xf32, #tpu.memory_space<hbm>> -> memref<64x128xf32, #tpu.memory_space<hbm>>
        %dma_start3A_38 = arith.constant 999936 : i32
        %dma_start3A_39 = arith.constant 0 : i32
        %dma_start3A_40 = tpu.memref_slice %arg4[%dma_start3A_38, %dma_start3A_39] : memref<1000000x128xf32, #tpu.memory_space<hbm>> -> memref<64x128xf32, #tpu.memory_space<hbm>>
        tpu.enqueue_dma source(%arg5 : memref<64x128xf32, #tpu.memory_space<vmem>>) target(%dma_start3A_40 : memref<64x128xf32, #tpu.memory_space<hbm>>) target_semaphore(%run_scoped3A : memref<!tpu.dma_semaphore, #tpu.memory_space<semaphore_mem>>)
        %dma_wait3A_41 = arith.constant 999936 : i32
        %dma_wait3A_42 = arith.constant 0 : i32
        %dma_wait3A_43 = tpu.memref_slice %arg4[%dma_wait3A_41, %dma_wait3A_42] : memref<1000000x128xf32, #tpu.memory_space<hbm>> -> memref<64x128xf32, #tpu.memory_space<hbm>>
        %dma_wait3A_44 = arith.constant 999936 : i32
        %dma_wait3A_45 = arith.constant 0 : i32
        %dma_wait3A_46 = tpu.memref_slice %arg4[%dma_wait3A_44, %dma_wait3A_45] : memref<1000000x128xf32, #tpu.memory_space<hbm>> -> memref<64x128xf32, #tpu.memory_space<hbm>>
        tpu.wait_dma2 semaphore(%run_scoped3A : memref<!tpu.dma_semaphore, #tpu.memory_space<semaphore_mem>>) src(%arg5 : memref<64x128xf32, #tpu.memory_space<vmem>>) dst(%dma_wait3A_46 : memref<64x128xf32, #tpu.memory_space<hbm>>)
        tpu.yield
      }) : () -> ()
    } else {
    }
    return
  }
}

#map = affine_map<(d0, d1) -> (0, 0)>
#map1 = affine_map<(d0, d1) -> (0, 0, 0)>
module attributes {stable_mosaic.version = 14 : i64} {
  func.func @gather_kernel(%arg0: i32, %arg1: i32, %arg2: memref<1000000x128xf32, #tpu.memory_space<hbm>>, %arg3: memref<200x4096xi32, #tpu.memory_space<hbm>>, %arg4: memref<200x64x4096xf32, #tpu.memory_space<hbm>>, %arg5: memref<200x128xi32, #tpu.memory_space<vmem>>, %arg6: memref<128x128xf32, #tpu.memory_space<vmem>>, %arg7: memref<128x128xf32, #tpu.memory_space<vmem>>, %arg8: memref<64x129xf32, #tpu.memory_space<vmem>>, %arg9: memref<64x129xf32, #tpu.memory_space<vmem>>, %arg10: memref<!tpu.dma_semaphore, #tpu.memory_space<semaphore_mem>>, %arg11: memref<!tpu.dma_semaphore, #tpu.memory_space<semaphore_mem>>, %arg12: memref<!tpu.dma_semaphore, #tpu.memory_space<semaphore_mem>>, %arg13: memref<!tpu.dma_semaphore, #tpu.memory_space<semaphore_mem>>) attributes {dimension_semantics = [#tpu.dimension_semantics<core_parallel>, #tpu.dimension_semantics<subcore_parallel>], iteration_bounds = array<i64: 2, 16>, scalar_prefetch = 0 : i64, scratch_operands = 9 : i64, tpu.core_type = #tpu.core_type<sc_vector_subcore>, window_params = [{transform_indices = #map}, {transform_indices = #map}, {transform_indices = #map1}]} {
    %mul3A = arith.constant 2 : i32
    %mul3A_0 = arith.muli %arg1, %mul3A : i32
    %add3A = arith.addi %mul3A_0, %arg0 : i32
    %mul3A_1 = arith.constant 128 : i32
    %mul3A_2 = arith.muli %add3A, %mul3A_1 : i32
    "tpu.region"() ({
      %run_scoped3A = tpu.sem_alloc : memref<!tpu.dma_semaphore, #tpu.memory_space<semaphore_mem>>
      %dma_start3A_38 = arith.constant 0 : i32
      %dma_start3A_39 = tpu.memref_slice %arg3[%dma_start3A_38, %mul3A_2] : memref<200x4096xi32, #tpu.memory_space<hbm>> -> memref<200x128xi32, #tpu.memory_space<hbm>>
      %dma_start3A_40 = arith.constant 0 : i32
      %dma_start3A_41 = tpu.memref_slice %arg3[%dma_start3A_40, %mul3A_2] : memref<200x4096xi32, #tpu.memory_space<hbm>> -> memref<200x128xi32, #tpu.memory_space<hbm>>
      tpu.enqueue_dma source(%dma_start3A_41 : memref<200x128xi32, #tpu.memory_space<hbm>>) target(%arg5 : memref<200x128xi32, #tpu.memory_space<vmem>>) target_semaphore(%run_scoped3A : memref<!tpu.dma_semaphore, #tpu.memory_space<semaphore_mem>>)
      %dma_wait3A_42 = arith.constant 0 : i32
      %dma_wait3A_43 = tpu.memref_slice %arg3[%dma_wait3A_42, %mul3A_2] : memref<200x4096xi32, #tpu.memory_space<hbm>> -> memref<200x128xi32, #tpu.memory_space<hbm>>
      %dma_wait3A_44 = arith.constant 0 : i32
      %dma_wait3A_45 = tpu.memref_slice %arg3[%dma_wait3A_44, %mul3A_2] : memref<200x4096xi32, #tpu.memory_space<hbm>> -> memref<200x128xi32, #tpu.memory_space<hbm>>
      tpu.wait_dma2 semaphore(%run_scoped3A : memref<!tpu.dma_semaphore, #tpu.memory_space<semaphore_mem>>) src(%dma_wait3A_45 : memref<200x128xi32, #tpu.memory_space<hbm>>) dst(%arg5 : memref<200x128xi32, #tpu.memory_space<vmem>>)
      tpu.yield
    }) : () -> ()
    %dma_start3A = arith.constant 0 : i32
    %dma_start3A_3 = arith.constant 0 : i32
    %dma_start3A_4 = tpu.memref_slice %arg5[%dma_start3A, %dma_start3A_3] : memref<200x128xi32, #tpu.memory_space<vmem>> -> memref<1x128xi32, #tpu.memory_space<vmem>>
    %dma_start3A_5 = tpu.memref_squeeze %dma_start3A_4 : memref<1x128xi32, #tpu.memory_space<vmem>> -> memref<128xi32, #tpu.memory_space<vmem>>
    %dma_start3A_6 = arith.constant 0 : i32
    %dma_start3A_7 = arith.constant 0 : i32
    %dma_start3A_8 = tpu.memref_slice %arg2[%dma_start3A_6, %dma_start3A_7] : memref<1000000x128xf32, #tpu.memory_space<hbm>> -> memref<1000000x128xf32, #tpu.memory_space<hbm>>
    tpu.enqueue_indirect_dma source(%dma_start3A_8 : memref<1000000x128xf32, #tpu.memory_space<hbm>>) target(%arg6 : memref<128x128xf32, #tpu.memory_space<vmem>>) offsets(%dma_start3A_5 : memref<128xi32, #tpu.memory_space<vmem>>) semaphore(%arg10 : memref<!tpu.dma_semaphore, #tpu.memory_space<semaphore_mem>>)
    %scan3A = arith.constant 0 : i32
    %scan3A_9 = arith.constant 100 : i32
    %scan3A_10 = arith.addi %scan3A, %scan3A_9 : i32
    %scan3A_11 = arith.constant 1 : i32
    scf.for %scan3A_38 = %scan3A to %scan3A_10 step %scan3A_11  : i32 {
      %mul3A_39 = arith.constant 2 : i32
      %mul3A_40 = arith.muli %mul3A_39, %scan3A_38 : i32
      %add3A_41 = arith.constant 0 : i32
      %add3A_42 = arith.addi %mul3A_40, %add3A_41 : i32
      %add3A_43 = arith.constant 1 : i32
      %add3A_44 = arith.addi %add3A_42, %add3A_43 : i32
      %lt3A = arith.constant 200 : i32
      %lt3A_45 = arith.cmpi slt, %add3A_44, %lt3A : i32
      %convert_element_type3A = arith.extui %lt3A_45 : i1 to i32
      %cond3A = arith.constant 0 : i32
      %cond3A_46 = arith.cmpi ne, %convert_element_type3A, %cond3A : i32
      scf.if %cond3A_46 {
        %add3A_146 = arith.constant 1 : i32
        %add3A_147 = arith.addi %add3A_42, %add3A_146 : i32
        %dma_start3A_148 = arith.constant 0 : i32
        %dma_start3A_149 = tpu.memref_slice %arg5[%add3A_147, %dma_start3A_148] : memref<200x128xi32, #tpu.memory_space<vmem>> -> memref<1x128xi32, #tpu.memory_space<vmem>>
        %dma_start3A_150 = tpu.memref_squeeze %dma_start3A_149 : memref<1x128xi32, #tpu.memory_space<vmem>> -> memref<128xi32, #tpu.memory_space<vmem>>
        %dma_start3A_151 = arith.constant 0 : i32
        %dma_start3A_152 = arith.constant 0 : i32
        %dma_start3A_153 = tpu.memref_slice %arg2[%dma_start3A_151, %dma_start3A_152] : memref<1000000x128xf32, #tpu.memory_space<hbm>> -> memref<1000000x128xf32, #tpu.memory_space<hbm>>
        tpu.enqueue_indirect_dma source(%dma_start3A_153 : memref<1000000x128xf32, #tpu.memory_space<hbm>>) target(%arg7 : memref<128x128xf32, #tpu.memory_space<vmem>>) offsets(%dma_start3A_150 : memref<128xi32, #tpu.memory_space<vmem>>) semaphore(%arg11 : memref<!tpu.dma_semaphore, #tpu.memory_space<semaphore_mem>>)
      } else {
      }
      %dma_wait3A_47 = arith.constant 0 : i32
      %dma_wait3A_48 = arith.constant 0 : i32
      %dma_wait3A_49 = tpu.memref_slice %arg5[%dma_wait3A_47, %dma_wait3A_48] : memref<200x128xi32, #tpu.memory_space<vmem>> -> memref<1x128xi32, #tpu.memory_space<vmem>>
      %dma_wait3A_50 = tpu.memref_squeeze %dma_wait3A_49 : memref<1x128xi32, #tpu.memory_space<vmem>> -> memref<128xi32, #tpu.memory_space<vmem>>
      %dma_wait3A_51 = arith.constant 0 : i32
      %dma_wait3A_52 = arith.constant 0 : i32
      %dma_wait3A_53 = tpu.memref_slice %arg2[%dma_wait3A_51, %dma_wait3A_52] : memref<1000000x128xf32, #tpu.memory_space<hbm>> -> memref<1000000x128xf32, #tpu.memory_space<hbm>>
      tpu.wait_indirect_dma semaphore(%arg10 : memref<!tpu.dma_semaphore, #tpu.memory_space<semaphore_mem>>) src(%dma_wait3A_53 : memref<1000000x128xf32, #tpu.memory_space<hbm>>) dst(%arg6 : memref<128x128xf32, #tpu.memory_space<vmem>>)
      %ge3A = arith.constant 2 : i32
      %ge3A_54 = arith.cmpi sge, %add3A_42, %ge3A : i32
      %convert_element_type3A_55 = arith.extui %ge3A_54 : i1 to i32
      %cond3A_56 = arith.constant 0 : i32
      %cond3A_57 = arith.cmpi ne, %convert_element_type3A_55, %cond3A_56 : i32
      scf.if %cond3A_57 {
        %dma_wait3A_146 = arith.constant 0 : i32
        %dma_wait3A_147 = arith.constant 0 : i32
        %dma_wait3A_148 = arith.constant 0 : i32
        %dma_wait3A_149 = tpu.memref_slice %arg8[%dma_wait3A_147, %dma_wait3A_148] : memref<64x129xf32, #tpu.memory_space<vmem>> -> memref<64x128xf32, #tpu.memory_space<vmem>>
        %dma_wait3A_150 = arith.constant 0 : i32
        %dma_wait3A_151 = tpu.memref_slice %arg4[%dma_wait3A_146, %dma_wait3A_150, %mul3A_2] : memref<200x64x4096xf32, #tpu.memory_space<hbm>> -> memref<1x64x128xf32, #tpu.memory_space<hbm>>
        %dma_wait3A_152 = tpu.memref_squeeze %dma_wait3A_151 : memref<1x64x128xf32, #tpu.memory_space<hbm>> -> memref<64x128xf32, #tpu.memory_space<hbm>>
        %dma_wait3A_153 = arith.constant 0 : i32
        %dma_wait3A_154 = tpu.memref_slice %arg4[%dma_wait3A_146, %dma_wait3A_153, %mul3A_2] : memref<200x64x4096xf32, #tpu.memory_space<hbm>> -> memref<1x64x128xf32, #tpu.memory_space<hbm>>
        %dma_wait3A_155 = tpu.memref_squeeze %dma_wait3A_154 : memref<1x64x128xf32, #tpu.memory_space<hbm>> -> memref<64x128xf32, #tpu.memory_space<hbm>>
        %dma_wait3A_156 = arith.constant 0 : i32
        %dma_wait3A_157 = arith.constant 0 : i32
        %dma_wait3A_158 = tpu.memref_slice %arg8[%dma_wait3A_156, %dma_wait3A_157] : memref<64x129xf32, #tpu.memory_space<vmem>> -> memref<64x128xf32, #tpu.memory_space<vmem>>
        tpu.wait_dma2 semaphore(%arg12 : memref<!tpu.dma_semaphore, #tpu.memory_space<semaphore_mem>>) src(%dma_wait3A_158 : memref<64x128xf32, #tpu.memory_space<vmem>>) dst(%dma_wait3A_155 : memref<64x128xf32, #tpu.memory_space<hbm>>)
      } else {
      }
      %iota3A = tpu.iota {dimensions = array<i32: 0>} : vector<16xi32>
      %add3A_58 = arith.constant 0 : i32
      %add3A_59 = vector.broadcast %add3A_58 : i32 to vector<16xi32>
      %add3A_60 = arith.addi %iota3A, %add3A_59 : vector<16xi32>
      %iota3A_61 = tpu.iota {dimensions = array<i32: 0>} : vector<16xi32>
      %add3A_62 = arith.constant 16 : i32
      %add3A_63 = vector.broadcast %add3A_62 : i32 to vector<16xi32>
      %add3A_64 = arith.addi %iota3A_61, %add3A_63 : vector<16xi32>
      %iota3A_65 = tpu.iota {dimensions = array<i32: 0>} : vector<16xi32>
      %add3A_66 = arith.constant 32 : i32
      %add3A_67 = vector.broadcast %add3A_66 : i32 to vector<16xi32>
      %add3A_68 = arith.addi %iota3A_65, %add3A_67 : vector<16xi32>
      %iota3A_69 = tpu.iota {dimensions = array<i32: 0>} : vector<16xi32>
      %add3A_70 = arith.constant 48 : i32
      %add3A_71 = vector.broadcast %add3A_70 : i32 to vector<16xi32>
      %add3A_72 = arith.addi %iota3A_69, %add3A_71 : vector<16xi32>
      %scan3A_73 = arith.constant 0 : i32
      %scan3A_74 = arith.constant 64 : i32
      %scan3A_75 = arith.addi %scan3A_73, %scan3A_74 : i32
      %scan3A_76 = arith.constant 1 : i32
      scf.for %scan3A_146 = %scan3A_73 to %scan3A_75 step %scan3A_76  : i32 {
        %mul3A_147 = arith.constant 2 : i32
        %mul3A_148 = arith.muli %scan3A_146, %mul3A_147 : i32
        %add3A_149 = arith.constant 0 : i32
        %add3A_150 = arith.addi %mul3A_148, %add3A_149 : i32
        %broadcast_in_dim3A = vector.broadcast %add3A_150 : i32 to vector<16xi32>
        %get3A = arith.index_cast %add3A_150 : i32 to index
        %get3A_151 = arith.constant 0 : index
        %get3A_152 = tpu.vector_load %arg6[%get3A, %get3A_151] {strides = array<i32>} : memref<128x128xf32, #tpu.memory_space<vmem>>, vector<16xf32>,
        %get3A_153 = arith.index_cast %add3A_150 : i32 to index
        %get3A_154 = arith.constant 16 : index
        %get3A_155 = tpu.vector_load %arg6[%get3A_153, %get3A_154] {strides = array<i32>} : memref<128x128xf32, #tpu.memory_space<vmem>>, vector<16xf32>,
        %get3A_156 = arith.index_cast %add3A_150 : i32 to index
        %get3A_157 = arith.constant 32 : index
        %get3A_158 = tpu.vector_load %arg6[%get3A_156, %get3A_157] {strides = array<i32>} : memref<128x128xf32, #tpu.memory_space<vmem>>, vector<16xf32>,
        %get3A_159 = arith.index_cast %add3A_150 : i32 to index
        %get3A_160 = arith.constant 48 : index
        %get3A_161 = tpu.vector_load %arg6[%get3A_159, %get3A_160] {strides = array<i32>} : memref<128x128xf32, #tpu.memory_space<vmem>>, vector<16xf32>,
        tpu.vector_store_idx %arg8[%add3A_60, %broadcast_in_dim3A], %get3A_152 : memref<64x129xf32, #tpu.memory_space<vmem>>[vector<16xi32>, vector<16xi32>], vector<16xf32>,
        tpu.vector_store_idx %arg8[%add3A_64, %broadcast_in_dim3A], %get3A_155 : memref<64x129xf32, #tpu.memory_space<vmem>>[vector<16xi32>, vector<16xi32>], vector<16xf32>,
        tpu.vector_store_idx %arg8[%add3A_68, %broadcast_in_dim3A], %get3A_158 : memref<64x129xf32, #tpu.memory_space<vmem>>[vector<16xi32>, vector<16xi32>], vector<16xf32>,
        tpu.vector_store_idx %arg8[%add3A_72, %broadcast_in_dim3A], %get3A_161 : memref<64x129xf32, #tpu.memory_space<vmem>>[vector<16xi32>, vector<16xi32>], vector<16xf32>,
        %mul3A_162 = arith.constant 2 : i32
        %mul3A_163 = arith.muli %scan3A_146, %mul3A_162 : i32
        %add3A_164 = arith.constant 1 : i32
        %add3A_165 = arith.addi %mul3A_163, %add3A_164 : i32
        %broadcast_in_dim3A_166 = vector.broadcast %add3A_165 : i32 to vector<16xi32>
        %get3A_167 = arith.index_cast %add3A_165 : i32 to index
        %get3A_168 = arith.constant 0 : index
        %get3A_169 = tpu.vector_load %arg6[%get3A_167, %get3A_168] {strides = array<i32>} : memref<128x128xf32, #tpu.memory_space<vmem>>, vector<16xf32>,
        %get3A_170 = arith.index_cast %add3A_165 : i32 to index
        %get3A_171 = arith.constant 16 : index
        %get3A_172 = tpu.vector_load %arg6[%get3A_170, %get3A_171] {strides = array<i32>} : memref<128x128xf32, #tpu.memory_space<vmem>>, vector<16xf32>,
        %get3A_173 = arith.index_cast %add3A_165 : i32 to index
        %get3A_174 = arith.constant 32 : index
        %get3A_175 = tpu.vector_load %arg6[%get3A_173, %get3A_174] {strides = array<i32>} : memref<128x128xf32, #tpu.memory_space<vmem>>, vector<16xf32>,
        %get3A_176 = arith.index_cast %add3A_165 : i32 to index
        %get3A_177 = arith.constant 48 : index
        %get3A_178 = tpu.vector_load %arg6[%get3A_176, %get3A_177] {strides = array<i32>} : memref<128x128xf32, #tpu.memory_space<vmem>>, vector<16xf32>,
        tpu.vector_store_idx %arg8[%add3A_60, %broadcast_in_dim3A_166], %get3A_169 : memref<64x129xf32, #tpu.memory_space<vmem>>[vector<16xi32>, vector<16xi32>], vector<16xf32>,
        tpu.vector_store_idx %arg8[%add3A_64, %broadcast_in_dim3A_166], %get3A_172 : memref<64x129xf32, #tpu.memory_space<vmem>>[vector<16xi32>, vector<16xi32>], vector<16xf32>,
        tpu.vector_store_idx %arg8[%add3A_68, %broadcast_in_dim3A_166], %get3A_175 : memref<64x129xf32, #tpu.memory_space<vmem>>[vector<16xi32>, vector<16xi32>], vector<16xf32>,
        tpu.vector_store_idx %arg8[%add3A_72, %broadcast_in_dim3A_166], %get3A_178 : memref<64x129xf32, #tpu.memory_space<vmem>>[vector<16xi32>, vector<16xi32>], vector<16xf32>,
      }
      %scan3A_77 = arith.constant 64 : i32
      %dma_start3A_78 = arith.constant 0 : i32
      %dma_start3A_79 = arith.constant 0 : i32
      %dma_start3A_80 = tpu.memref_slice %arg8[%dma_start3A_78, %dma_start3A_79] : memref<64x129xf32, #tpu.memory_space<vmem>> -> memref<64x128xf32, #tpu.memory_space<vmem>>
      %dma_start3A_81 = arith.constant 0 : i32
      %dma_start3A_82 = tpu.memref_slice %arg4[%add3A_42, %dma_start3A_81, %mul3A_2] : memref<200x64x4096xf32, #tpu.memory_space<hbm>> -> memref<1x64x128xf32, #tpu.memory_space<hbm>>
      %dma_start3A_83 = tpu.memref_squeeze %dma_start3A_82 : memref<1x64x128xf32, #tpu.memory_space<hbm>> -> memref<64x128xf32, #tpu.memory_space<hbm>>
      %dma_start3A_84 = arith.constant 0 : i32
      %dma_start3A_85 = tpu.memref_slice %arg4[%add3A_42, %dma_start3A_84, %mul3A_2] : memref<200x64x4096xf32, #tpu.memory_space<hbm>> -> memref<1x64x128xf32, #tpu.memory_space<hbm>>
      %dma_start3A_86 = tpu.memref_squeeze %dma_start3A_85 : memref<1x64x128xf32, #tpu.memory_space<hbm>> -> memref<64x128xf32, #tpu.memory_space<hbm>>
      %dma_start3A_87 = arith.constant 0 : i32
      %dma_start3A_88 = arith.constant 0 : i32
      %dma_start3A_89 = tpu.memref_slice %arg8[%dma_start3A_87, %dma_start3A_88] : memref<64x129xf32, #tpu.memory_space<vmem>> -> memref<64x128xf32, #tpu.memory_space<vmem>>
      tpu.enqueue_dma source(%dma_start3A_89 : memref<64x128xf32, #tpu.memory_space<vmem>>) target(%dma_start3A_86 : memref<64x128xf32, #tpu.memory_space<hbm>>) target_semaphore(%arg12 : memref<!tpu.dma_semaphore, #tpu.memory_space<semaphore_mem>>)
      %mul3A_90 = arith.constant 2 : i32
      %mul3A_91 = arith.muli %mul3A_90, %scan3A_38 : i32
      %add3A_92 = arith.constant 1 : i32
      %add3A_93 = arith.addi %mul3A_91, %add3A_92 : i32
      %add3A_94 = arith.constant 1 : i32
      %add3A_95 = arith.addi %add3A_93, %add3A_94 : i32
      %lt3A_96 = arith.constant 200 : i32
      %lt3A_97 = arith.cmpi slt, %add3A_95, %lt3A_96 : i32
      %convert_element_type3A_98 = arith.extui %lt3A_97 : i1 to i32
      %cond3A_99 = arith.constant 0 : i32
      %cond3A_100 = arith.cmpi ne, %convert_element_type3A_98, %cond3A_99 : i32
      scf.if %cond3A_100 {
        %add3A_146 = arith.constant 1 : i32
        %add3A_147 = arith.addi %add3A_93, %add3A_146 : i32
        %dma_start3A_148 = arith.constant 0 : i32
        %dma_start3A_149 = tpu.memref_slice %arg5[%add3A_147, %dma_start3A_148] : memref<200x128xi32, #tpu.memory_space<vmem>> -> memref<1x128xi32, #tpu.memory_space<vmem>>
        %dma_start3A_150 = tpu.memref_squeeze %dma_start3A_149 : memref<1x128xi32, #tpu.memory_space<vmem>> -> memref<128xi32, #tpu.memory_space<vmem>>
        %dma_start3A_151 = arith.constant 0 : i32
        %dma_start3A_152 = arith.constant 0 : i32
        %dma_start3A_153 = tpu.memref_slice %arg2[%dma_start3A_151, %dma_start3A_152] : memref<1000000x128xf32, #tpu.memory_space<hbm>> -> memref<1000000x128xf32, #tpu.memory_space<hbm>>
        tpu.enqueue_indirect_dma source(%dma_start3A_153 : memref<1000000x128xf32, #tpu.memory_space<hbm>>) target(%arg6 : memref<128x128xf32, #tpu.memory_space<vmem>>) offsets(%dma_start3A_150 : memref<128xi32, #tpu.memory_space<vmem>>) semaphore(%arg10 : memref<!tpu.dma_semaphore, #tpu.memory_space<semaphore_mem>>)
      } else {
      }
      %dma_wait3A_101 = arith.constant 0 : i32
      %dma_wait3A_102 = arith.constant 0 : i32
      %dma_wait3A_103 = tpu.memref_slice %arg5[%dma_wait3A_101, %dma_wait3A_102] : memref<200x128xi32, #tpu.memory_space<vmem>> -> memref<1x128xi32, #tpu.memory_space<vmem>>
      %dma_wait3A_104 = tpu.memref_squeeze %dma_wait3A_103 : memref<1x128xi32, #tpu.memory_space<vmem>> -> memref<128xi32, #tpu.memory_space<vmem>>
      %dma_wait3A_105 = arith.constant 0 : i32
      %dma_wait3A_106 = arith.constant 0 : i32
      %dma_wait3A_107 = tpu.memref_slice %arg2[%dma_wait3A_105, %dma_wait3A_106] : memref<1000000x128xf32, #tpu.memory_space<hbm>> -> memref<1000000x128xf32, #tpu.memory_space<hbm>>
      tpu.wait_indirect_dma semaphore(%arg11 : memref<!tpu.dma_semaphore, #tpu.memory_space<semaphore_mem>>) src(%dma_wait3A_107 : memref<1000000x128xf32, #tpu.memory_space<hbm>>) dst(%arg7 : memref<128x128xf32, #tpu.memory_space<vmem>>)
      %ge3A_108 = arith.constant 2 : i32
      %ge3A_109 = arith.cmpi sge, %add3A_93, %ge3A_108 : i32
      %convert_element_type3A_110 = arith.extui %ge3A_109 : i1 to i32
      %cond3A_111 = arith.constant 0 : i32
      %cond3A_112 = arith.cmpi ne, %convert_element_type3A_110, %cond3A_111 : i32
      scf.if %cond3A_112 {
        %dma_wait3A_146 = arith.constant 0 : i32
        %dma_wait3A_147 = arith.constant 0 : i32
        %dma_wait3A_148 = arith.constant 0 : i32
        %dma_wait3A_149 = tpu.memref_slice %arg9[%dma_wait3A_147, %dma_wait3A_148] : memref<64x129xf32, #tpu.memory_space<vmem>> -> memref<64x128xf32, #tpu.memory_space<vmem>>
        %dma_wait3A_150 = arith.constant 0 : i32
        %dma_wait3A_151 = tpu.memref_slice %arg4[%dma_wait3A_146, %dma_wait3A_150, %mul3A_2] : memref<200x64x4096xf32, #tpu.memory_space<hbm>> -> memref<1x64x128xf32, #tpu.memory_space<hbm>>
        %dma_wait3A_152 = tpu.memref_squeeze %dma_wait3A_151 : memref<1x64x128xf32, #tpu.memory_space<hbm>> -> memref<64x128xf32, #tpu.memory_space<hbm>>
        %dma_wait3A_153 = arith.constant 0 : i32
        %dma_wait3A_154 = tpu.memref_slice %arg4[%dma_wait3A_146, %dma_wait3A_153, %mul3A_2] : memref<200x64x4096xf32, #tpu.memory_space<hbm>> -> memref<1x64x128xf32, #tpu.memory_space<hbm>>
        %dma_wait3A_155 = tpu.memref_squeeze %dma_wait3A_154 : memref<1x64x128xf32, #tpu.memory_space<hbm>> -> memref<64x128xf32, #tpu.memory_space<hbm>>
        %dma_wait3A_156 = arith.constant 0 : i32
        %dma_wait3A_157 = arith.constant 0 : i32
        %dma_wait3A_158 = tpu.memref_slice %arg9[%dma_wait3A_156, %dma_wait3A_157] : memref<64x129xf32, #tpu.memory_space<vmem>> -> memref<64x128xf32, #tpu.memory_space<vmem>>
        tpu.wait_dma2 semaphore(%arg13 : memref<!tpu.dma_semaphore, #tpu.memory_space<semaphore_mem>>) src(%dma_wait3A_158 : memref<64x128xf32, #tpu.memory_space<vmem>>) dst(%dma_wait3A_155 : memref<64x128xf32, #tpu.memory_space<hbm>>)
      } else {
      }
      %iota3A_113 = tpu.iota {dimensions = array<i32: 0>} : vector<16xi32>
      %add3A_114 = arith.constant 0 : i32
      %add3A_115 = vector.broadcast %add3A_114 : i32 to vector<16xi32>
      %add3A_116 = arith.addi %iota3A_113, %add3A_115 : vector<16xi32>
      %iota3A_117 = tpu.iota {dimensions = array<i32: 0>} : vector<16xi32>
      %add3A_118 = arith.constant 16 : i32
      %add3A_119 = vector.broadcast %add3A_118 : i32 to vector<16xi32>
      %add3A_120 = arith.addi %iota3A_117, %add3A_119 : vector<16xi32>
      %iota3A_121 = tpu.iota {dimensions = array<i32: 0>} : vector<16xi32>
      %add3A_122 = arith.constant 32 : i32
      %add3A_123 = vector.broadcast %add3A_122 : i32 to vector<16xi32>
      %add3A_124 = arith.addi %iota3A_121, %add3A_123 : vector<16xi32>
      %iota3A_125 = tpu.iota {dimensions = array<i32: 0>} : vector<16xi32>
      %add3A_126 = arith.constant 48 : i32
      %add3A_127 = vector.broadcast %add3A_126 : i32 to vector<16xi32>
      %add3A_128 = arith.addi %iota3A_125, %add3A_127 : vector<16xi32>
      %scan3A_129 = arith.constant 0 : i32
      %scan3A_130 = arith.constant 64 : i32
      %scan3A_131 = arith.addi %scan3A_129, %scan3A_130 : i32
      %scan3A_132 = arith.constant 1 : i32
      scf.for %scan3A_146 = %scan3A_129 to %scan3A_131 step %scan3A_132  : i32 {
        %mul3A_147 = arith.constant 2 : i32
        %mul3A_148 = arith.muli %scan3A_146, %mul3A_147 : i32
        %add3A_149 = arith.constant 0 : i32
        %add3A_150 = arith.addi %mul3A_148, %add3A_149 : i32
        %broadcast_in_dim3A = vector.broadcast %add3A_150 : i32 to vector<16xi32>
        %get3A = arith.index_cast %add3A_150 : i32 to index
        %get3A_151 = arith.constant 0 : index
        %get3A_152 = tpu.vector_load %arg7[%get3A, %get3A_151] {strides = array<i32>} : memref<128x128xf32, #tpu.memory_space<vmem>>, vector<16xf32>,
        %get3A_153 = arith.index_cast %add3A_150 : i32 to index
        %get3A_154 = arith.constant 16 : index
        %get3A_155 = tpu.vector_load %arg7[%get3A_153, %get3A_154] {strides = array<i32>} : memref<128x128xf32, #tpu.memory_space<vmem>>, vector<16xf32>,
        %get3A_156 = arith.index_cast %add3A_150 : i32 to index
        %get3A_157 = arith.constant 32 : index
        %get3A_158 = tpu.vector_load %arg7[%get3A_156, %get3A_157] {strides = array<i32>} : memref<128x128xf32, #tpu.memory_space<vmem>>, vector<16xf32>,
        %get3A_159 = arith.index_cast %add3A_150 : i32 to index
        %get3A_160 = arith.constant 48 : index
        %get3A_161 = tpu.vector_load %arg7[%get3A_159, %get3A_160] {strides = array<i32>} : memref<128x128xf32, #tpu.memory_space<vmem>>, vector<16xf32>,
        tpu.vector_store_idx %arg9[%add3A_116, %broadcast_in_dim3A], %get3A_152 : memref<64x129xf32, #tpu.memory_space<vmem>>[vector<16xi32>, vector<16xi32>], vector<16xf32>,
        tpu.vector_store_idx %arg9[%add3A_120, %broadcast_in_dim3A], %get3A_155 : memref<64x129xf32, #tpu.memory_space<vmem>>[vector<16xi32>, vector<16xi32>], vector<16xf32>,
        tpu.vector_store_idx %arg9[%add3A_124, %broadcast_in_dim3A], %get3A_158 : memref<64x129xf32, #tpu.memory_space<vmem>>[vector<16xi32>, vector<16xi32>], vector<16xf32>,
        tpu.vector_store_idx %arg9[%add3A_128, %broadcast_in_dim3A], %get3A_161 : memref<64x129xf32, #tpu.memory_space<vmem>>[vector<16xi32>, vector<16xi32>], vector<16xf32>,
        %mul3A_162 = arith.constant 2 : i32
        %mul3A_163 = arith.muli %scan3A_146, %mul3A_162 : i32
        %add3A_164 = arith.constant 1 : i32
        %add3A_165 = arith.addi %mul3A_163, %add3A_164 : i32
        %broadcast_in_dim3A_166 = vector.broadcast %add3A_165 : i32 to vector<16xi32>
        %get3A_167 = arith.index_cast %add3A_165 : i32 to index
        %get3A_168 = arith.constant 0 : index
        %get3A_169 = tpu.vector_load %arg7[%get3A_167, %get3A_168] {strides = array<i32>} : memref<128x128xf32, #tpu.memory_space<vmem>>, vector<16xf32>,
        %get3A_170 = arith.index_cast %add3A_165 : i32 to index
        %get3A_171 = arith.constant 16 : index
        %get3A_172 = tpu.vector_load %arg7[%get3A_170, %get3A_171] {strides = array<i32>} : memref<128x128xf32, #tpu.memory_space<vmem>>, vector<16xf32>,
        %get3A_173 = arith.index_cast %add3A_165 : i32 to index
        %get3A_174 = arith.constant 32 : index
        %get3A_175 = tpu.vector_load %arg7[%get3A_173, %get3A_174] {strides = array<i32>} : memref<128x128xf32, #tpu.memory_space<vmem>>, vector<16xf32>,
        %get3A_176 = arith.index_cast %add3A_165 : i32 to index
        %get3A_177 = arith.constant 48 : index
        %get3A_178 = tpu.vector_load %arg7[%get3A_176, %get3A_177] {strides = array<i32>} : memref<128x128xf32, #tpu.memory_space<vmem>>, vector<16xf32>,
        tpu.vector_store_idx %arg9[%add3A_116, %broadcast_in_dim3A_166], %get3A_169 : memref<64x129xf32, #tpu.memory_space<vmem>>[vector<16xi32>, vector<16xi32>], vector<16xf32>,
        tpu.vector_store_idx %arg9[%add3A_120, %broadcast_in_dim3A_166], %get3A_172 : memref<64x129xf32, #tpu.memory_space<vmem>>[vector<16xi32>, vector<16xi32>], vector<16xf32>,
        tpu.vector_store_idx %arg9[%add3A_124, %broadcast_in_dim3A_166], %get3A_175 : memref<64x129xf32, #tpu.memory_space<vmem>>[vector<16xi32>, vector<16xi32>], vector<16xf32>,
        tpu.vector_store_idx %arg9[%add3A_128, %broadcast_in_dim3A_166], %get3A_178 : memref<64x129xf32, #tpu.memory_space<vmem>>[vector<16xi32>, vector<16xi32>], vector<16xf32>,
      }
      %scan3A_133 = arith.constant 64 : i32
      %dma_start3A_134 = arith.constant 0 : i32
      %dma_start3A_135 = arith.constant 0 : i32
      %dma_start3A_136 = tpu.memref_slice %arg9[%dma_start3A_134, %dma_start3A_135] : memref<64x129xf32, #tpu.memory_space<vmem>> -> memref<64x128xf32, #tpu.memory_space<vmem>>
      %dma_start3A_137 = arith.constant 0 : i32
      %dma_start3A_138 = tpu.memref_slice %arg4[%add3A_93, %dma_start3A_137, %mul3A_2] : memref<200x64x4096xf32, #tpu.memory_space<hbm>> -> memref<1x64x128xf32, #tpu.memory_space<hbm>>
      %dma_start3A_139 = tpu.memref_squeeze %dma_start3A_138 : memref<1x64x128xf32, #tpu.memory_space<hbm>> -> memref<64x128xf32, #tpu.memory_space<hbm>>
      %dma_start3A_140 = arith.constant 0 : i32
      %dma_start3A_141 = tpu.memref_slice %arg4[%add3A_93, %dma_start3A_140, %mul3A_2] : memref<200x64x4096xf32, #tpu.memory_space<hbm>> -> memref<1x64x128xf32, #tpu.memory_space<hbm>>
      %dma_start3A_142 = tpu.memref_squeeze %dma_start3A_141 : memref<1x64x128xf32, #tpu.memory_space<hbm>> -> memref<64x128xf32, #tpu.memory_space<hbm>>
      %dma_start3A_143 = arith.constant 0 : i32
      %dma_start3A_144 = arith.constant 0 : i32
      %dma_start3A_145 = tpu.memref_slice %arg9[%dma_start3A_143, %dma_start3A_144] : memref<64x129xf32, #tpu.memory_space<vmem>> -> memref<64x128xf32, #tpu.memory_space<vmem>>
      tpu.enqueue_dma source(%dma_start3A_145 : memref<64x128xf32, #tpu.memory_space<vmem>>) target(%dma_start3A_142 : memref<64x128xf32, #tpu.memory_space<hbm>>) target_semaphore(%arg13 : memref<!tpu.dma_semaphore, #tpu.memory_space<semaphore_mem>>)
    }
    %scan3A_12 = arith.constant 100 : i32
    %dma_wait3A = arith.constant 0 : i32
    %dma_wait3A_13 = arith.constant 0 : i32
    %dma_wait3A_14 = arith.constant 0 : i32
    %dma_wait3A_15 = tpu.memref_slice %arg8[%dma_wait3A_13, %dma_wait3A_14] : memref<64x129xf32, #tpu.memory_space<vmem>> -> memref<64x128xf32, #tpu.memory_space<vmem>>
    %dma_wait3A_16 = arith.constant 0 : i32
    %dma_wait3A_17 = tpu.memref_slice %arg4[%dma_wait3A, %dma_wait3A_16, %mul3A_2] : memref<200x64x4096xf32, #tpu.memory_space<hbm>> -> memref<1x64x128xf32, #tpu.memory_space<hbm>>
    %dma_wait3A_18 = tpu.memref_squeeze %dma_wait3A_17 : memref<1x64x128xf32, #tpu.memory_space<hbm>> -> memref<64x128xf32, #tpu.memory_space<hbm>>
    %dma_wait3A_19 = arith.constant 0 : i32
    %dma_wait3A_20 = tpu.memref_slice %arg4[%dma_wait3A, %dma_wait3A_19, %mul3A_2] : memref<200x64x4096xf32, #tpu.memory_space<hbm>> -> memref<1x64x128xf32, #tpu.memory_space<hbm>>
    %dma_wait3A_21 = tpu.memref_squeeze %dma_wait3A_20 : memref<1x64x128xf32, #tpu.memory_space<hbm>> -> memref<64x128xf32, #tpu.memory_space<hbm>>
    %dma_wait3A_22 = arith.constant 0 : i32
    %dma_wait3A_23 = arith.constant 0 : i32
    %dma_wait3A_24 = tpu.memref_slice %arg8[%dma_wait3A_22, %dma_wait3A_23] : memref<64x129xf32, #tpu.memory_space<vmem>> -> memref<64x128xf32, #tpu.memory_space<vmem>>
    tpu.wait_dma2 semaphore(%arg12 : memref<!tpu.dma_semaphore, #tpu.memory_space<semaphore_mem>>) src(%dma_wait3A_24 : memref<64x128xf32, #tpu.memory_space<vmem>>) dst(%dma_wait3A_21 : memref<64x128xf32, #tpu.memory_space<hbm>>)
    %dma_wait3A_25 = arith.constant 0 : i32
    %dma_wait3A_26 = arith.constant 0 : i32
    %dma_wait3A_27 = arith.constant 0 : i32
    %dma_wait3A_28 = tpu.memref_slice %arg9[%dma_wait3A_26, %dma_wait3A_27] : memref<64x129xf32, #tpu.memory_space<vmem>> -> memref<64x128xf32, #tpu.memory_space<vmem>>
    %dma_wait3A_29 = arith.constant 0 : i32
    %dma_wait3A_30 = tpu.memref_slice %arg4[%dma_wait3A_25, %dma_wait3A_29, %mul3A_2] : memref<200x64x4096xf32, #tpu.memory_space<hbm>> -> memref<1x64x128xf32, #tpu.memory_space<hbm>>
    %dma_wait3A_31 = tpu.memref_squeeze %dma_wait3A_30 : memref<1x64x128xf32, #tpu.memory_space<hbm>> -> memref<64x128xf32, #tpu.memory_space<hbm>>
    %dma_wait3A_32 = arith.constant 0 : i32
    %dma_wait3A_33 = tpu.memref_slice %arg4[%dma_wait3A_25, %dma_wait3A_32, %mul3A_2] : memref<200x64x4096xf32, #tpu.memory_space<hbm>> -> memref<1x64x128xf32, #tpu.memory_space<hbm>>
    %dma_wait3A_34 = tpu.memref_squeeze %dma_wait3A_33 : memref<1x64x128xf32, #tpu.memory_space<hbm>> -> memref<64x128xf32, #tpu.memory_space<hbm>>
    %dma_wait3A_35 = arith.constant 0 : i32
    %dma_wait3A_36 = arith.constant 0 : i32
    %dma_wait3A_37 = tpu.memref_slice %arg9[%dma_wait3A_35, %dma_wait3A_36] : memref<64x129xf32, #tpu.memory_space<vmem>> -> memref<64x128xf32, #tpu.memory_space<vmem>>
    tpu.wait_dma2 semaphore(%arg13 : memref<!tpu.dma_semaphore, #tpu.memory_space<semaphore_mem>>) src(%dma_wait3A_37 : memref<64x128xf32, #tpu.memory_space<vmem>>) dst(%dma_wait3A_34 : memref<64x128xf32, #tpu.memory_space<hbm>>)
    return
  }
}

</mosaic_0001>

<sc_bundles>
// kernel: kernel.4.cloned.1.call-start
scs
__scs_entry_jumppad:
0x0: {  	(pc) =	sbr.rel $0x88, $3  }
0x1: {  	(tag) =	ssettag $0x0;
	lr =	simm.s32 $0x1  }
0x2: {  	[smem:$0x3F9F] =	sst lr;
	_ =	strace $0xD0000000  }
0x3: {  	_ = 	snop  }
0x4: {  	_ = 	snop  }
0x5: {  	_ = 	snop  }
0x6: {  	_ = 	snop  }
0x7: {  	_ = 	snop  }
__scs_overlays_trampoline_lowered:
0x8: {  	[smem:$0x3FAE] =	sst s0  }
0x9: {  	[smem:$0x3FAF] =	sst s1  }
0xa: {  	[smem:$0x3FB0] =	sst s2  }
0xb: {  	[smem:$0x3FB1] =	sst s3  }
0xc: {  	[smem:$0x3FB2] =	sst s4  }
0xd: {  	[smem:$0x3FB3] =	sst s5  }
0xe: {  	[smem:$0x3FB4] =	sst s6  }
0xf: {  	[smem:$0x3FB5] =	sst s7  }
0x10: {  	[smem:$0x3FB6] =	sst s8  }
0x11: {  	[smem:$0x3FB7] =	sst s9;
	s0 =	simm.s32 @!p0 $0x0  }
0x12: {  	s1 =	sld [smem:$0x3F9D];
	s0 =	simm.s32 @p0 $0x1  }
0x13: {  	[smem:$0x3FB8] =	sst s0;
	s0 =	simm.s32 @!p1 $0x0  }
0x14: {  	s2 =	sld [smem:$0x3F9C];
	s0 =	simm.s32 @p1 $0x1  }
0x15: {  	[smem:$0x3FB9] =	sst s0;
	s0 =	simm.s32 @!p2 $0x0  }
0x16: {  	s3 =	sld [smem:$0x3FDB];
	s0 =	simm.s32 @p2 $0x1  }
0x17: {  	s4 =	simm.s32 $0x1BF5;
	[smem:$0x3FBB] =	sst s0  }
0x18: {  	s0 =	sld [smem:$0x3F9E];
	_ =	swait.ge [sflag:s4], $0x0  }
0x19: {  	s7 =	sld [smem:$0x3F9F]  }
0x1a: {  	s8 =	sadd.s32 $0xFFFFE003, lr  }
0x1b: {  	s9 =	sadd.s32 $0xFFFFFEF7, lr;
	s5 =	simm.s32 $0xFFFFFFFF;
	p2 =	slt.u32 s8, $0xFFFFF086  }
0x1c: {  	p1 =	slt.u32 s9, $0xF7A;
	s5 =	simm.s32 @!p2 $0x0  }
0x1d: {  	s5 =	simm.s32 @p1 $0x1;
	p0 =	seq.s32 s7, s2  }
0x1e: {  	s7 =	smul.u32 @!p0 $0xF7A, s2;
	p2 =	seq.s32 @!p0 s5, $0x0  }
0x1f: {  	s9 =	smul.u32 $0xF7A, s1;
	s8 =	simm.s32 @!p0 $0x1BF5;
	p2 =	por !p2, p0  }
0x20: {  	[sflag:s8] =	ssyncset.s32 @!p0 $0xFFFFF086;
	s6 =	sadd.s32 @!p0 s3, s7;
	s7 =	simm.s32 @!p0 $0x108  }
0x21: {  	s3 =	sadd.s32 s3, s9;
	s6 =	sadd.s32 @!p0 $0x88, s6;
	s7 =	simm.s32 @p2 $0x1082  }
0x22: {  	[simem:s7], [sflag:s8] =	dma.local @!p0 [hbm:s6], $0xF7A  }
0x23: {  	s9 =	sor.u32 $0xD0000000, s2;
	s6 =	simm.s32 $0x108;
	_ =	swait.ge @!p0 [sflag:s8], $0x0  }
0x24: {  	s3 =	sadd.s32 $0x88, s3;
	s6 =	simm.s32 @!p1 $0x1082;
	[sflag:s4] =	ssyncset.s32 $0xFFFFF086  }
0x25: {  	[simem:s6], [sflag:s4] =	dma.local [hbm:s3], $0xF7A  }
0x26: {  	[smem:$0x3F9F] =	sst s1;
	(tag) =	ssettag s2;
	_ =	strace s9  }
0x27: {  	s1 =	sld [smem:$0x3FAF]  }
0x28: {  	s2 =	sld [smem:$0x3FB0]  }
0x29: {  	s4 =	sld [smem:$0x3FB2]  }
0x2a: {  	p0 =	seq.s32 s5, $0x0;
	s5 =	sld [smem:$0x3FB3]  }
0x2b: {  	s6 =	sld [smem:$0x3FB4]  }
0x2c: {  	s7 =	sld [smem:$0x3FB5]  }
0x2d: {  	s3 =	simm.s32 $0x108;
	s8 =	sld [smem:$0x3FB6]  }
0x2e: {  	s3 =	simm.s32 @!p0 $0x1082;
	s9 =	sld [smem:$0x3FB7]  }
0x2f: {  	lr =	sadd.s32 s0, s3;
	s0 =	sld [smem:$0x3FAE]  }
0x30: {  	s3 =	sld [smem:$0x3FB1]  }
0x31: {  	[smem:$0x3FBA] =	sst s10  }
0x32: {  	s10 =	sld [smem:$0x3FB8];
	_ =	sdelay $0x3  }
0x33: {  	p0 =	seq.s32 s10, $0x1;
	s10 =	sld [smem:$0x3FBA];
	_ =	sdelay $0x3  }
0x34: {  	[smem:$0x3FBA] =	sst s10  }
0x35: {  	s10 =	sld [smem:$0x3FB9];
	_ =	sdelay $0x3  }
0x36: {  	p1 =	seq.s32 s10, $0x1;
	s10 =	sld [smem:$0x3FBA];
	_ =	sdelay $0x3  }
0x37: {  	[smem:$0x3FBA] =	sst s10  }
0x38: {  	s10 =	sld [smem:$0x3FBB]  }
0x39: {  	_ = 	snop;
	(pc) =	sbr.ind lr, $3  }
0x3a: {  	_ = 	snop  }
0x3b: {  	_ = 	snop  }
0x3c: {  	p2 =	seq.s32 s10, $0x1;
	s10 =	sld [smem:$0x3FBA]  }
0x3d: {  	_ =	shalt  }
0x3e: {  	_ =	shalt  }
0x3f: {  	_ =	shalt  }
0x40: {  	_ =	shalt  }
0x41: {  	_ =	shalt  }
0x42: {  	_ =	shalt  }
0x43: {  	_ =	shalt  }
0x44: {  	_ =	shalt  }
0x45: {  	_ =	shalt  }
0x46: {  	_ =	shalt  }
0x47: {  	_ =	shalt  }
0x48: {  	_ =	shalt  }
0x49: {  	_ =	shalt  }
0x4a: {  	_ =	shalt  }
0x4b: {  	_ =	shalt  }
0x4c: {  	_ =	shalt  }
0x4d: {  	_ =	shalt  }
0x4e: {  	_ =	shalt  }
0x4f: {  	_ =	shalt  }
0x50: {  	_ =	shalt  }
0x51: {  	_ =	shalt  }
0x52: {  	_ =	shalt  }
0x53: {  	_ =	shalt  }
0x54: {  	_ =	shalt  }
0x55: {  	_ =	shalt  }
0x56: {  	_ =	shalt  }
0x57: {  	_ =	shalt  }
0x58: {  	_ =	shalt  }
0x59: {  	_ =	shalt  }
0x5a: {  	_ =	shalt  }
0x5b: {  	_ =	shalt  }
0x5c: {  	_ =	shalt  }
0x5d: {  	_ =	shalt  }
0x5e: {  	_ =	shalt  }
0x5f: {  	_ =	shalt  }
0x60: {  	_ =	shalt  }
0x61: {  	_ =	shalt  }
0x62: {  	_ =	shalt  }
0x63: {  	_ =	shalt  }
0x64: {  	_ =	shalt  }
0x65: {  	_ =	shalt  }
0x66: {  	_ =	shalt  }
0x67: {  	_ =	shalt  }
0x68: {  	_ =	shalt  }
0x69: {  	_ =	shalt  }
0x6a: {  	_ =	shalt  }
0x6b: {  	_ =	shalt  }
0x6c: {  	_ =	shalt  }
0x6d: {  	_ =	shalt  }
0x6e: {  	_ =	shalt  }
0x6f: {  	_ =	shalt  }
0x70: {  	_ =	shalt  }
0x71: {  	_ =	shalt  }
0x72: {  	_ =	shalt  }
0x73: {  	_ =	shalt  }
0x74: {  	_ =	shalt  }
0x75: {  	_ =	shalt  }
0x76: {  	_ =	shalt  }
0x77: {  	_ =	shalt  }
0x78: {  	_ =	shalt  }
0x79: {  	_ =	shalt  }
0x7a: {  	_ =	shalt  }
0x7b: {  	_ =	shalt  }
0x7c: {  	_ =	shalt  }
0x7d: {  	_ =	shalt  }
0x7e: {  	_ =	shalt  }
0x7f: {  	_ =	shalt  }
0x80: {  	_ =	shalt  }
0x81: {  	_ =	shalt  }
0x82: {  	_ =	shalt  }
0x83: {  	_ =	shalt  }
0x84: {  	_ =	shalt  }
0x85: {  	_ =	shalt  }
0x86: {  	_ =	shalt  }
0x87: {  	_ =	shalt  }
.Lfunc_end0:
.L_simem_size_0:
called_computation_lowered:
.L_overlay_start_0:
0x88: {  	s2 =	sld [smem:$0x3FD9]  }
0x89: {  	s3 =	sld [smem:$0x3FFE];
	_ =	sdelay $0x1  }
0x8a: {  	s1 =	srdreg.scid  }
0x8b: {  	s0 =	sand.u32 $0x1, s1  }
0x8c: {  	s17 =	sshll.u32 s0, $0xA;
	s2 =	sadd.s32 s3, s2  }
0x8d: {  	s2 =	sadd.s32 s2, s17  }
0x8e: {  	[smem:$0x3FC6] =	sst s2  }
0x8f: {  	_ = 	snop  }
0x90: {  	s2 =	sld [smem:$0x3FC8]  }
0x91: {  	s18 =	sld [smem:$0x3FD0];
	(tm) =	ssettm $0x1  }
0x92: {  	s4 =	sld [smem:$0x3FFB];
	_ =	sdelay $0x3  }
0x93: {  	_ =	strace s4  }
0x94: {  	s4 =	sld [smem:$0x3FFC];
	_ =	sdelay $0x3  }
0x95: {  	_ =	strace s4  }
0x96: {  	s4 =	sld [smem:$0x3FFD];
	_ =	sdelay $0x3  }
0x97: {  	_ =	strace s4  }
0x98: {  	_ =	strace $0x8FFFFFFF  }
0x99: {  	s19 =	sld [smem:$0x3FDB];
	_ =	sdelay $0x1  }
0x9a: {  	s5 =	simm.s32 $_scs_section_size  }
0x9b: {  	s6 =	simm.s32 $_size__tile_overlayer_lowered;
	s7 =	simm.s32 $_tile_overlayer_lowered  }
0x9c: {  	s22 =	simm.s32 $0x1BFF;
	s21 =	sshll.u32 s7, $0x1;
	s4 =	sadd.s32 s5, s19  }
0x9d: {  	s8 =	simm.s32 $0x0;
	s20 =	sshll.u32 s6, $0x1;
	s6 =	sadd.s32 s21, s4  }
0x9e: {  	[timem:s8], [sflag:s22] =	dma.local [hbm:s6], s20  }
0x9f: {  	_ =	swait.ge [sflag:s22], s20  }
0xa0: {  	s5 =	ssub.s32 $0x0, s20;
	[sflag:s22] =	ssyncset.done $0x0  }
0xa1: {  	[sflag:s22] =	ssyncadd.s32 s5;
	_ =	sdelay $0x1  }
0xa2: {  	s23 =	simm.s32 $0x1B8B  }
0xa3: {  	_ =	swait.ge [sflag:s23], $0x1  }
0xa4: {  	[sflag:s23] =	ssyncset.done $0x0  }
0xa5: {  	s25 =	simm.s32 $0x1B8E;
	s24 =	sld [smem:$0x3FFE];
	[sflag:s23] =	ssyncadd.s32 $0xFFFFFFFF  }
0xa6: {  	s26 =	simm.s32 $execute0_lowered;
	[smem:$0x3FD2] =	sst s25  }
0xa7: {  	s6 =	sshll.u32 s26, $0x1;
	_ =	strace $0x80000046;
	[dreg:$0x1] =	wrdreg $0xFFFFFFFF  }
0xa8: {  	s28 =	simm.s32 $_size_execute0_lowered;
	s4 =	sadd.s32 s4, s6;
	[dreg:$0x0] =	wrdreg $0x0  }
0xa9: {  	s6 =	sshll.u32 s28, $0x1;
	[dreg:$0x2] =	wrdreg s4  }
0xaa: {  	[dreg:$0x3] =	wrdreg s6  }
0xab: {  	[dreg:$0x4] =	wrdreg $0xC0  }
0xac: {  	_ =	task [dreg:s8], $0x5FFFF  }
0xad: {  	[dreg:$0x1] =	wrdreg $0xFFFFFFFF  }
0xae: {  	[dreg:$0x0] =	wrdreg $0x60  }
0xaf: {  	[dreg:$0x2] =	wrdreg s2  }
0xb0: {  	[dreg:$0x3] =	wrdreg s18  }
0xb1: {  	[dreg:$0x4] =	wrdreg s24  }
0xb2: {  	[dreg:$0x5] =	wrdreg $0x9  }
0xb3: {  	_ =	task.clear_ibuf [dreg:s8], $0x6FFFF;
	_ =	strace $0x90000046  }
0xb4: {  	s29 =	simm.s32 $0x9;
	_ =	strace $0x80000048  }
0xb5: {  	_ =	swait.ge [sflag:s29], $0x1  }
0xb6: {  	[sflag:s29] =	ssyncadd.s32 $0xFFFFFFFF  }
0xb7: {  	_ =	strace $0x90000048  }
0xb8: {  	_ =	sfence  }
0xb9: {  	s30 =	sld [smem:$0x0];
	_ =	sdelay $0x2  }
0xba: {  	s31 =	sshll.u32 s1, $0xD;
	s1 =	sshrl.u32 s1, $0x2  }
0xbb: {  	s3 =	sand.u32 $0x4000, s31;
	s1 =	sadd.s32 s1, s30  }
0xbc: {  	s0 =	sor.u32 s3, s0;
	s1 =	sshll.u32 s1, $0x11  }
0xbd: {  	s0 =	sor.u32 s1, s0  }
0xbe: {  	s0 =	sadd.s32 $0x8F2B, s0  }
0xbf: {  	[sflag:s0] =	ssyncadd.remote.s32 $0x1  }
0xc0: {  	_ =	sfence.sel $0xFFFF  }
0xc1: {  	[dreg:$0x0] =	wrdreg $0xFFFFFFFF;
	(pc) =	sbr.abs _section_cstart, $3  }
0xc2: {  	[dreg:$0x1] =	wrdreg $0xFFFFFFFF  }
0xc3: {  	_ =	task.clear_ibuf [dreg:s8], $0x2FFFF;
	_ =	strace $0x9FFFFFFF  }
0xc4: {  	(tm) =	ssettm $0x7FFFFFFF  }
0xc5: {  	_ =	shalt  }
tec
execute0_lowered:
.L_overlay_start_1:
0x0: {  	(tag) =	ssettag $0x1  }
0x1: {  	v0 =	vimm.s32 $0xB80;
	vm14 =	vcmask $0x300  }
0x2: {  	v1 =	vimm.s32 $0x1B80;
	vm13 =	vcmask $0x704;
	vm11 =	vcmask $0xB08  }
0x3: {  	vm12 =	vcmask $0xF0C;
	vm10 =	vcmask $0x1310;
	vm9 =	vcmask $0x1714  }
0x4: {  	vm8 =	vcmask $0x1B18;
	vm7 =	vcmask $0x1F1C;
	vm6 =	vcmask $0x2320  }
0x5: {  	vm5 =	vcmask $0x2724;
	vm4 =	vcmask $0x2B28;
	vm3 =	vcmask $0x2F2C  }
0x6: {  	vm2 =	vcmask $0x3330;
	vm1 =	vcmask $0x3734;
	vm0 =	vcmask $0x3B38  }
0x7: {  	v2 =	vimm.s32 $0x2B80;
	v3 =	vimm.s32 $0x3B80;
	v4 =	vimm.s32 $0x4B80  }
0x8: {  	v5 =	vimm.s32 $0x5B80;
	v6 =	vimm.s32 $0x6B80;
	v7 =	vimm.s32 $0x7B80  }
0x9: {  	v0 =	vsel vm14, $0x0, v0;
	v1 =	vsel vm14, $0x1000, v1;
	v2 =	vsel vm14, $0x2000, v2  }
0xa: {  	v3 =	vsel vm14, $0x3000, v3;
	v4 =	vsel vm14, $0x4000, v4;
	v5 =	vsel vm14, $0x5000, v5  }
0xb: {  	v6 =	vsel vm14, $0x6000, v6;
	v7 =	vsel vm14, $0x7000, v7;
	v0 =	vsel vm13, $0x80, v0  }
0xc: {  	v1 =	vsel vm13, $0x1080, v1;
	v2 =	vsel vm13, $0x2080, v2;
	v3 =	vsel vm13, $0x3080, v3  }
0xd: {  	v4 =	vsel vm13, $0x4080, v4;
	v5 =	vsel vm13, $0x5080, v5;
	v6 =	vsel vm13, $0x6080, v6  }
0xe: {  	v7 =	vsel vm13, $0x7080, v7;
	v0 =	vsel vm11, $0x100, v0;
	v1 =	vsel vm11, $0x1100, v1  }
0xf: {  	v2 =	vsel vm11, $0x2100, v2;
	v3 =	vsel vm11, $0x3100, v3;
	v4 =	vsel vm11, $0x4100, v4  }
0x10: {  	v5 =	vsel vm11, $0x5100, v5;
	v6 =	vsel vm11, $0x6100, v6;
	v7 =	vsel vm11, $0x7100, v7  }
0x11: {  	v0 =	vsel vm12, $0x180, v0;
	v1 =	vsel vm12, $0x1180, v1;
	v2 =	vsel vm12, $0x2180, v2  }
0x12: {  	v3 =	vsel vm12, $0x3180, v3;
	v4 =	vsel vm12, $0x4180, v4;
	v5 =	vsel vm12, $0x5180, v5  }
0x13: {  	v6 =	vsel vm12, $0x6180, v6;
	v7 =	vsel vm12, $0x7180, v7;
	v0 =	vsel vm10, $0x200, v0  }
0x14: {  	v1 =	vsel vm10, $0x1200, v1;
	v2 =	vsel vm10, $0x2200, v2;
	v3 =	vsel vm10, $0x3200, v3  }
0x15: {  	v4 =	vsel vm10, $0x4200, v4;
	v5 =	vsel vm10, $0x5200, v5;
	v6 =	vsel vm10, $0x6200, v6  }
0x16: {  	v7 =	vsel vm10, $0x7200, v7;
	v0 =	vsel vm9, $0x280, v0;
	v1 =	vsel vm9, $0x1280, v1  }
0x17: {  	v2 =	vsel vm9, $0x2280, v2;
	v3 =	vsel vm9, $0x3280, v3;
	v4 =	vsel vm9, $0x4280, v4  }
0x18: {  	v5 =	vsel vm9, $0x5280, v5;
	v6 =	vsel vm9, $0x6280, v6;
	v7 =	vsel vm9, $0x7280, v7  }
0x19: {  	v0 =	vsel vm8, $0x300, v0;
	v1 =	vsel vm8, $0x1300, v1;
	v2 =	vsel vm8, $0x2300, v2  }
0x1a: {  	v3 =	vsel vm8, $0x3300, v3;
	v4 =	vsel vm8, $0x4300, v4;
	v5 =	vsel vm8, $0x5300, v5  }
0x1b: {  	v6 =	vsel vm8, $0x6300, v6;
	v7 =	vsel vm8, $0x7300, v7;
	v0 =	vsel vm7, $0x380, v0  }
0x1c: {  	v1 =	vsel vm7, $0x1380, v1;
	v2 =	vsel vm7, $0x2380, v2;
	v3 =	vsel vm7, $0x3380, v3  }
0x1d: {  	v4 =	vsel vm7, $0x4380, v4;
	v5 =	vsel vm7, $0x5380, v5;
	v6 =	vsel vm7, $0x6380, v6  }
0x1e: {  	v7 =	vsel vm7, $0x7380, v7;
	v0 =	vsel vm6, $0x800, v0;
	v1 =	vsel vm6, $0x1800, v1  }
0x1f: {  	v2 =	vsel vm6, $0x2800, v2;
	v3 =	vsel vm6, $0x3800, v3;
	v4 =	vsel vm6, $0x4800, v4  }
0x20: {  	v5 =	vsel vm6, $0x5800, v5;
	v6 =	vsel vm6, $0x6800, v6;
	v7 =	vsel vm6, $0x7800, v7  }
0x21: {  	v0 =	vsel vm5, $0x880, v0;
	v1 =	vsel vm5, $0x1880, v1;
	v2 =	vsel vm5, $0x2880, v2  }
0x22: {  	s0 =	rddreg [dreg:$0x0];
	v3 =	vsel vm5, $0x3880, v3;
	v4 =	vsel vm5, $0x4880, v4;
	v5 =	vsel vm5, $0x5880, v5  }
0x23: {  	s1 =	rddreg [dreg:$0x2];
	s4 =	simm.s32 $0x0;
	s2 =	srdreg.scid;
	v6 =	vsel vm5, $0x6880, v6;
	v7 =	vsel vm5, $0x7880, v7;
	v0 =	vsel vm4, $0x900, v0  }
0x24: {  	s3 =	stileid.u32;
	s13 =	simm.s32 $0x1;
	s14 =	simm.s32 $0x4000;
	v1 =	vsel vm4, $0x1900, v1;
	v2 =	vsel vm4, $0x2900, v2;
	v3 =	vsel vm4, $0x3900, v3  }
0x25: {  	s31 =	simm.s32 $0x2;
	s11 =	simm.s32 $0xD800;
	s12 =	simm.s32 $0xE000;
	v4 =	vsel vm4, $0x4900, v4;
	v5 =	vsel vm4, $0x5900, v5;
	v6 =	vsel vm4, $0x6900, v6  }
0x26: {  	s9 =	simm.s32 $0xF000;
	s10 =	simm.s32 $0xF800;
	s15 =	simm.s32 $0x10000;
	v7 =	vsel vm4, $0x7900, v7;
	v0 =	vsel vm3, $0x980, v0;
	v1 =	vsel vm3, $0x1980, v1  }
0x27: {  	s16 =	simm.s32 $0x10800;
	s17 =	simm.s32 $0x11000;
	s18 =	simm.s32 $0x11800;
	v2 =	vsel vm3, $0x2980, v2;
	v3 =	vsel vm3, $0x3980, v3;
	v4 =	vsel vm3, $0x4980, v4  }
0x28: {  	s19 =	simm.s32 $0x12000;
	s20 =	simm.s32 $0x12800;
	s21 =	simm.s32 $0x13000;
	v5 =	vsel vm3, $0x5980, v5;
	v6 =	vsel vm3, $0x6980, v6;
	v7 =	vsel vm3, $0x7980, v7  }
0x29: {  	s22 =	simm.s32 $0x13800;
	s24 =	simm.s32 $0x0;
	[smem:$0x7FF] =	sst s4;
	v0 =	vsel vm2, $0xA00, v0;
	v1 =	vsel vm2, $0x1A00, v1;
	v2 =	vsel vm2, $0x2A00, v2  }
0x2a: {  	s2 =	sand.u32 $0x1, s2;
	s6 =	sadd.s32 $0x800, s1;
	s1 =	sadd.s32 $0xF42800, s1;
	v3 =	vsel vm2, $0x3A00, v3;
	v4 =	vsel vm2, $0x4A00, v4;
	v5 =	vsel vm2, $0x5A00, v5  }
0x2b: {  	s3 =	sshll.u32 s3, $0x1;
	_ =	strace $0x80000047;
	s7 =	ssub.s32 $0x2, s2;
	v6 =	vsel vm2, $0x6A00, v6;
	v7 =	vsel vm2, $0x7A00, v7;
	v0 =	vsel vm1, $0xA80, v0  }
.Ltmp0:
0x2c: {  	s5 =	sor.u32 s2, s3;
	[dreg:$0x5] =	wrdreg s1;
	v1 =	vsel vm1, $0x1A80, v1;
	v2 =	vsel vm1, $0x2A80, v2;
	v3 =	vsel vm1, $0x3A80, v3;
	(pc) =	sbr.rel .LBB2_1-.Ltmp0, $4  }
0x2d: {  	s1 =	simm.s32 $0xD000;
	s29 =	sshrl.u32 s7, $0x1;
	s3 =	sshll.u32 s5, $0x7;
	v4 =	vsel vm1, $0x4A80, v4;
	v5 =	vsel vm1, $0x5A80, v5;
	v6 =	vsel vm1, $0x6A80, v6  }
0x2e: {  	s8 =	sor.u32 $0x40, s5;
	s2 =	ssub.s32 s7, s29;
	s3 =	sadd.s32 s0, s3;
	v7 =	vsel vm1, $0x7A80, v7;
	v0 =	vsel vm0, $0xB00, v0;
	v1 =	vsel vm0, $0x1B00, v1  }
0x2f: {  	p0 =	sne.s32 s5, $0x1F;
	[dreg:$0x4] =	wrdreg s3;
	s30 =	smax.u32 s2, $0x1;
	v2 =	vsel vm0, $0x2B00, v2;
	v3 =	vsel vm0, $0x3B00, v3;
	v4 =	vsel vm0, $0x4B00, v4  }
0x30: {  	s7 =	simm.s32 $0xE800;
	s2 =	simm.s32 $0xC000;
	[dreg:$0x6] =	wrdreg s30;
	v5 =	vsel vm0, $0x5B00, v5;
	v6 =	vsel vm0, $0x6B00, v6;
	v7 =	vsel vm0, $0x7B00, v7  }
.LBB2_11:
0x31: {  	s3 =	simm.s32 $0x3  }
0x32: {  	_ =	swait.ge [sflag:s3], $0x4000  }
0x33: {  	[sflag:s3] =	ssyncset.done $0x0  }
0x34: {  	s28 =	simm.s32 $0x4;
	[sflag:s3] =	ssyncadd.s32 $0xFFFFC000  }
0x35: {  	_ =	swait.ge [sflag:s28], $0x4000  }
0x36: {  	[sflag:s28] =	ssyncset.done $0x0  }
0x37: {  	[sflag:s28] =	ssyncadd.s32 $0xFFFFC000  }
0x38: {  	s3 =	simm.s32 @!p0 $0x0;
	s23 =	rddreg [dreg:$0x1]  }
0x39: {  	[tilespmem:s3], [sflag:$0x5] =	stream.linear.gather @!p0 [hbm4b:s23+s3], $0x2000, $0x38;
	[tilespmem:$0x14000] =	vst v63  }
0x3a: {  	s23 =	simm.s32 @!p0 $0x5  }
0x3b: {  	_ =	swait.ge @!p0 [sflag:s23], $0x2000  }
0x3c: {  	[sflag:s23] =	ssyncset.done @!p0 $0x0  }
0x3d: {  	s24 =	rddreg [dreg:$0x5];
	[sflag:s23] =	ssyncadd.s32 @!p0 $0xFFFFE000  }
0x3e: {  	[hbm4b:s24+s3] =	stream.linear.scatter @!p0 [tilespmem:s3], [sflag:$0x5], $0x2000, $0x38;
	[tilespmem:$0x14000] =	vst v63  }
0x3f: {  	_ =	swait.ge @!p0 [sflag:s23], $0x2000  }
0x40: {  	s29 =	rddreg [dreg:$0x7]  }
0x41: {  	s30 =	rddreg [dreg:$0x6];
	s24 =	sadd.s32 $0x1, s29  }
0x42: {  	p1 =	sne.s32 s24, s30  }
.Ltmp1:
0x43: {  	_ = 	snop;
	(pc) =	sbr.rel @!p1 .LBB2_12-.Ltmp1, $3  }
0x44: {  	_ =	sdelay $0x1  }
0x45: {  	[sflag:s23] =	ssyncset.done @!p0 $0x0  }
0x46: {  	[sflag:s23] =	ssyncadd.s32 @!p0 $0xFFFFE000  }
.LBB2_1:
.Ltmp2:
0x47: {  	(pc) =	sbr.rel .LBB2_2-.Ltmp2, $4  }
0x48: {  	_ = 	snop  }
0x49: {  	s3 =	rddreg [dreg:$0x4];
	s23 =	simm.s32 $0x400;
	s30 =	simm.s32 $0x7A1400  }
0x4a: {  	[tilespmem:s4], [sflag:$0x1] =	stream.strided.gather [hbm4b:s3+s23], $0x2000, s30, s23, $0x38;
	[tilespmem:$0x14000] =	vst v63  }
0x4b: {  	[dreg:$0x7] =	wrdreg s24;
	s23 =	simm.s32 $0x0  }
.LBB2_10:
0x4c: {  	s23 =	sadd.s32 $0x1, s23  }
0x4d: {  	p1 =	sne.s32 s23, $0x7B  }
.Ltmp3:
0x4e: {  	_ = 	snop;
	(pc) =	sbr.rel @!p1 .LBB2_11-.Ltmp3, $1  }
0x4f: {  	_ =	sdelay $0x3  }
.LBB2_2:
0x50: {  	s25 =	sshll.u32 s23, $0x6  }
0x51: {  	s26 =	sor.u32 s5, s25  }
0x52: {  	p3 =	sgt.u32 s26, $0x1E83  }
.Ltmp4:
0x53: {  	s24 =	sor.u32 $0x20, s26;
	(pc) =	sbr.rel @p3 .LBB2_6-.Ltmp4, $4  }
0x54: {  	p2 =	sgt.u32 s24, $0x1E83  }
0x55: {  	p1 =	seq.s32 s23, $0x0;
	s28 =	sshll.u32 @!p2 s24, $0x7;
	s29 =	simm.s32 @!p2 $0x400  }
0x56: {  	s30 =	simm.s32 @!p2 $0x7A1400;
	s3 =	simm.s32 @!p2 $0x2000;
	s28 =	sadd.s32 @!p2 s0, s28  }
0x57: {  	[tilespmem:s3], [sflag:$0x2] =	stream.strided.gather @!p2 [hbm4b:s28+s29], $0x2000, s30, s29, $0x38;
	[tilespmem:$0x14000] =	vst v63  }
0x58: {  	_ =	swait.ge [sflag:s13], $0x2000  }
0x59: {  	[sflag:s13] =	ssyncset.done $0x0  }
0x5a: {  	s3 =	simm.s32 @!p1 $0x3;
	[sflag:s13] =	ssyncadd.s32 $0xFFFFE000  }
0x5b: {  	_ =	swait.ge @!p1 [sflag:s3], $0x4000  }
0x5c: {  	[sflag:s3] =	ssyncset.done @!p1 $0x0  }
0x5d: {  	s28 =	simm.s32 $0x80;
	[sflag:s3] =	ssyncadd.s32 @!p1 $0xFFFFC000  }
0x5e: {  	v8 =	vld [tilespmem:s28+$0xFFFFFFF0]  }
0x5f: {  	s30 =	simm.s32 $0x0;
	v9 =	vld [tilespmem:s28+$0xFFFFFFE0]  }
0x60: {  	v12 =	vor.u32 s30, v0;
	v11 =	vld [tilespmem:s28+$0xFFFFFF80]  }
0x61: {  	v14 =	vor.u32 s30, v1;
	v13 =	vld [tilespmem:s28+$0xFFFFFF90]  }
0x62: {  	v16 =	vor.u32 s30, v2;
	v15 =	vld [tilespmem:s28+$0xFFFFFFA0]  }
0x63: {  	v18 =	vor.u32 s30, v3;
	v17 =	vld [tilespmem:s28+$0xFFFFFFB0]  }
0x64: {  	v20 =	vor.u32 s30, v4;
	v19 =	vld [tilespmem:s28+$0xFFFFFFC0]  }
0x65: {  	v10 =	vld [tilespmem:s28+$0xFFFFFFD0];
	[tilespmem:v12+s14+$0x0] =	vst.idx.msk $0xffff, v11;
	v11 =	vor.u32 s30, v5  }
0x66: {  	v12 =	vor.u32 s30, v6;
	[tilespmem:v14+s14+$0x0] =	vst.idx.msk $0xffff, v13  }
0x67: {  	v13 =	vor.u32 s30, v7;
	[tilespmem:v16+s14+$0x0] =	vst.idx.msk $0xffff, v15  }
0x68: {  	[tilespmem:v18+s14+$0x0] =	vst.idx.msk $0xffff, v17  }
0x69: {  	[tilespmem:v20+s14+$0x0] =	vst.idx.msk $0xffff, v19  }
0x6a: {  	[tilespmem:v11+s14+$0x0] =	vst.idx.msk $0xffff, v10  }
0x6b: {  	[tilespmem:v12+s14+$0x0] =	vst.idx.msk $0xffff, v9  }
0x6c: {  	[tilespmem:v13+s14+$0x0] =	vst.idx.msk $0xffff, v8  }
0x6d: {  	v16 =	vld [tilespmem:s28+$0x30]  }
0x6e: {  	s30 =	simm.s32 $0x1;
	v13 =	vld [tilespmem:s28+$0x20]  }
0x6f: {  	v14 =	vor.u32 s30, v0;
	v15 =	vld [tilespmem:s28+$0x0]  }
0x70: {  	v17 =	vor.u32 s30, v1;
	v12 =	vld [tilespmem:s28+$0x10]  }
0x71: {  	v62 =	vor.u32 s30, v2;
	v8 =	vld [tilespmem:s28+$0x50]  }
0x72: {  	v11 =	vld [tilespmem:s28+$0x40]  }
0x73: {  	v63 =	vor.u32 s30, v3;
	v9 =	vld [tilespmem:s28+$0x60]  }
0x74: {  	v10 =	vld [tilespmem:s28+$0x70];
	[tilespmem:v14+s14+$0x0] =	vst.idx.msk $0xffff, v15  }
0x75: {  	[tilespmem:v17+s14+$0x0] =	vst.idx.msk $0xffff, v12;
	v12 =	vor.u32 s30, v4  }
0x76: {  	[tilespmem:v62+s14+$0x0] =	vst.idx.msk $0xffff, v13;
	v13 =	vor.u32 s30, v5  }
0x77: {  	v14 =	vor.u32 s30, v6  }
0x78: {  	s29 =	simm.s32 $0x2;
	v15 =	vor.u32 s30, v7;
	[tilespmem:v63+s14+$0x0] =	vst.idx.msk $0xffff, v16  }
.LBB2_4:
0x79: {  	p3 =	sne.s32 s29, $0x3E  }
0x7a: {  	[tilespmem:v12+s14+$0x0] =	vst.idx.msk $0xffff, v11;
	s28 =	sadd.s32 $0x100, s28;
	s3 =	smov.u32 s29;
	s29 =	sadd.s32 $0x2, s29  }
0x7b: {  	[tilespmem:v13+s14+$0x0] =	vst.idx.msk $0xffff, v8  }
0x7c: {  	[tilespmem:v14+s14+$0x0] =	vst.idx.msk $0xffff, v9  }
0x7d: {  	[tilespmem:v15+s14+$0x0] =	vst.idx.msk $0xffff, v10  }
0x7e: {  	v8 =	vld [tilespmem:s28+$0xFFFFFFF0]  }
0x7f: {  	v9 =	vld [tilespmem:s28+$0xFFFFFFE0]  }
0x80: {  	v10 =	vld [tilespmem:s28+$0xFFFFFFD0]  }
0x81: {  	v12 =	vor.u32 s3, v0;
	v11 =	vld [tilespmem:s28+$0xFFFFFF80]  }
0x82: {  	v14 =	vor.u32 s3, v1;
	v13 =	vld [tilespmem:s28+$0xFFFFFF90]  }
0x83: {  	v16 =	vor.u32 s3, v2;
	v15 =	vld [tilespmem:s28+$0xFFFFFFA0]  }
0x84: {  	v18 =	vor.u32 s3, v3;
	v17 =	vld [tilespmem:s28+$0xFFFFFFB0]  }
0x85: {  	v20 =	vor.u32 s3, v4;
	v19 =	vld [tilespmem:s28+$0xFFFFFFC0]  }
0x86: {  	[tilespmem:v12+s14+$0x0] =	vst.idx.msk $0xffff, v11;
	v11 =	vor.u32 s3, v5  }
0x87: {  	v12 =	vor.u32 s3, v6;
	[tilespmem:v14+s14+$0x0] =	vst.idx.msk $0xffff, v13  }
0x88: {  	v13 =	vor.u32 s3, v7;
	[tilespmem:v16+s14+$0x0] =	vst.idx.msk $0xffff, v15  }
0x89: {  	[tilespmem:v18+s14+$0x0] =	vst.idx.msk $0xffff, v17  }
0x8a: {  	[tilespmem:v20+s14+$0x0] =	vst.idx.msk $0xffff, v19  }
0x8b: {  	[tilespmem:v11+s14+$0x0] =	vst.idx.msk $0xffff, v10  }
0x8c: {  	[tilespmem:v12+s14+$0x0] =	vst.idx.msk $0xffff, v9  }
0x8d: {  	[tilespmem:v13+s14+$0x0] =	vst.idx.msk $0xffff, v8  }
0x8e: {  	v16 =	vld [tilespmem:s28+$0x30]  }
0x8f: {  	s3 =	sadd.s32 $0x1, s3;
	v17 =	vld [tilespmem:s28+$0x20]  }
0x90: {  	v14 =	vor.u32 s3, v0;
	v15 =	vld [tilespmem:s28+$0x10]  }
0x91: {  	v19 =	vor.u32 s3, v1;
	v18 =	vld [tilespmem:s28+$0x0]  }
0x92: {  	v20 =	vor.u32 s3, v2;
	v8 =	vld [tilespmem:s28+$0x50]  }
0x93: {  	v21 =	vor.u32 s3, v3;
	v11 =	vld [tilespmem:s28+$0x40]  }
0x94: {  	v12 =	vor.u32 s3, v4;
	v9 =	vld [tilespmem:s28+$0x60]  }
.Ltmp5:
0x95: {  	v13 =	vor.u32 s3, v5;
	v10 =	vld [tilespmem:s28+$0x70];
	(pc) =	sbr.rel @p3 .LBB2_4-.Ltmp5, $4  }
0x96: {  	[tilespmem:v14+s14+$0x0] =	vst.idx.msk $0xffff, v18;
	v14 =	vor.u32 s3, v6  }
0x97: {  	[tilespmem:v19+s14+$0x0] =	vst.idx.msk $0xffff, v15;
	v15 =	vor.u32 s3, v7  }
0x98: {  	[tilespmem:v20+s14+$0x0] =	vst.idx.msk $0xffff, v17  }
0x99: {  	[tilespmem:v21+s14+$0x0] =	vst.idx.msk $0xffff, v16  }
0x9a: {  	_ =	sdelay $0x3  }
0x9b: {  	[tilespmem:v12+s14+$0x0] =	vst.idx.msk $0xffff, v11  }
0x9c: {  	[tilespmem:v13+s14+$0x0] =	vst.idx.msk $0xffff, v8  }
0x9d: {  	s3 =	sshll.u32 s26, $0xB;
	[tilespmem:v14+s14+$0x0] =	vst.idx.msk $0xffff, v9  }
0x9e: {  	s3 =	sadd.s32 s6, s3;
	[tilespmem:v15+s14+$0x0] =	vst.idx.msk $0xffff, v10  }
0x9f: {  	[hbm4b:s3+s4] =	stream.linear.scatter [tilespmem:s14], [sflag:$0x3], $0x400, $0x38;
	[tilespmem:$0x14000] =	vst v63  }
0xa0: {  	s28 =	simm.s32 $0x4800;
	s29 =	sadd.s32 $0x80, s3  }
0xa1: {  	[hbm4b:s29+s4] =	stream.linear.scatter [tilespmem:s28], [sflag:$0x3], $0x400, $0x38;
	[tilespmem:$0x14000] =	vst v63  }
0xa2: {  	s30 =	sadd.s32 $0x100, s3;
	s29 =	simm.s32 $0x5000  }
0xa3: {  	[hbm4b:s30+s4] =	stream.linear.scatter [tilespmem:s29], [sflag:$0x3], $0x400, $0x38;
	[tilespmem:$0x14000] =	vst v63  }
0xa4: {  	s30 =	sadd.s32 $0x180, s3;
	s29 =	simm.s32 $0x5800  }
0xa5: {  	[hbm4b:s30+s4] =	stream.linear.scatter [tilespmem:s29], [sflag:$0x3], $0x400, $0x38;
	[tilespmem:$0x14000] =	vst v63  }
0xa6: {  	s30 =	sadd.s32 $0x200, s3;
	s29 =	simm.s32 $0x6000  }
0xa7: {  	[hbm4b:s30+s4] =	stream.linear.scatter [tilespmem:s29], [sflag:$0x3], $0x400, $0x38;
	[tilespmem:$0x14000] =	vst v63  }
0xa8: {  	s30 =	sadd.s32 $0x280, s3;
	s29 =	simm.s32 $0x6800  }
0xa9: {  	[hbm4b:s30+s4] =	stream.linear.scatter [tilespmem:s29], [sflag:$0x3], $0x400, $0x38;
	[tilespmem:$0x14000] =	vst v63  }
0xaa: {  	s30 =	sadd.s32 $0x300, s3;
	s29 =	simm.s32 $0x7000  }
0xab: {  	[hbm4b:s30+s4] =	stream.linear.scatter [tilespmem:s29], [sflag:$0x3], $0x400, $0x38;
	[tilespmem:$0x14000] =	vst v63  }
0xac: {  	s30 =	sadd.s32 $0x380, s3;
	s29 =	simm.s32 $0x7800  }
0xad: {  	[hbm4b:s30+s4] =	stream.linear.scatter [tilespmem:s29], [sflag:$0x3], $0x400, $0x38;
	[tilespmem:$0x14000] =	vst v63  }
0xae: {  	s30 =	sadd.s32 $0x400, s3;
	s29 =	simm.s32 $0x8000  }
0xaf: {  	[hbm4b:s30+s4] =	stream.linear.scatter [tilespmem:s29], [sflag:$0x3], $0x400, $0x38;
	[tilespmem:$0x14000] =	vst v63  }
0xb0: {  	s30 =	sadd.s32 $0x480, s3;
	s29 =	simm.s32 $0x8800  }
0xb1: {  	[hbm4b:s30+s4] =	stream.linear.scatter [tilespmem:s29], [sflag:$0x3], $0x400, $0x38;
	[tilespmem:$0x14000] =	vst v63  }
0xb2: {  	s30 =	sadd.s32 $0x500, s3;
	s29 =	simm.s32 $0x9000  }
0xb3: {  	[hbm4b:s30+s4] =	stream.linear.scatter [tilespmem:s29], [sflag:$0x3], $0x400, $0x38;
	[tilespmem:$0x14000] =	vst v63  }
0xb4: {  	s30 =	sadd.s32 $0x580, s3;
	s29 =	simm.s32 $0x9800  }
0xb5: {  	[hbm4b:s30+s4] =	stream.linear.scatter [tilespmem:s29], [sflag:$0x3], $0x400, $0x38;
	[tilespmem:$0x14000] =	vst v63  }
0xb6: {  	s30 =	sadd.s32 $0x600, s3;
	s29 =	simm.s32 $0xA000  }
0xb7: {  	[hbm4b:s30+s4] =	stream.linear.scatter [tilespmem:s29], [sflag:$0x3], $0x400, $0x38;
	[tilespmem:$0x14000] =	vst v63  }
0xb8: {  	s30 =	sadd.s32 $0x680, s3;
	s29 =	simm.s32 $0xA800  }
0xb9: {  	[hbm4b:s30+s4] =	stream.linear.scatter [tilespmem:s29], [sflag:$0x3], $0x400, $0x38;
	[tilespmem:$0x14000] =	vst v63  }
0xba: {  	s30 =	sadd.s32 $0x700, s3;
	s29 =	simm.s32 $0xB000  }
0xbb: {  	[hbm4b:s30+s4] =	stream.linear.scatter [tilespmem:s29], [sflag:$0x3], $0x400, $0x38;
	[tilespmem:$0x14000] =	vst v63  }
0xbc: {  	s3 =	sadd.s32 $0x780, s3;
	s30 =	simm.s32 $0xB800  }
0xbd: {  	[hbm4b:s3+s4] =	stream.linear.scatter [tilespmem:s30], [sflag:$0x3], $0x400, $0x38;
	[tilespmem:$0x14000] =	vst v63  }
.LBB2_6:
.Ltmp6:
0xbe: {  	s3 =	sadd.s32 s8, s25;
	(pc) =	sbr.rel @p2 .LBB2_10-.Ltmp6, $4  }
0xbf: {  	p3 =	sgt.u32 s3, $0x1E83  }
0xc0: {  	s3 =	sshll.u32 @!p3 s3, $0x7;
	s25 =	simm.s32 @!p3 $0x400  }
0xc1: {  	s26 =	simm.s32 @!p3 $0x7A1400;
	s28 =	simm.s32 @!p3 $0x0;
	s3 =	sadd.s32 @!p3 s0, s3  }
0xc2: {  	[tilespmem:s28], [sflag:$0x1] =	stream.strided.gather @!p3 [hbm4b:s3+s25], $0x2000, s26, s25, $0x38;
	[tilespmem:$0x14000] =	vst v63  }
0xc3: {  	_ =	swait.ge [sflag:s31], $0x2000  }
0xc4: {  	[sflag:s31] =	ssyncset.done $0x0  }
0xc5: {  	s3 =	simm.s32 @!p1 $0x4;
	[sflag:s31] =	ssyncadd.s32 $0xFFFFE000  }
0xc6: {  	_ =	swait.ge @!p1 [sflag:s3], $0x4000  }
0xc7: {  	[sflag:s3] =	ssyncset.done @!p1 $0x0  }
0xc8: {  	s25 =	simm.s32 $0x2080;
	[sflag:s3] =	ssyncadd.s32 @!p1 $0xFFFFC000  }
0xc9: {  	v8 =	vld [tilespmem:s25+$0xFFFFFFF0]  }
0xca: {  	s29 =	simm.s32 $0x0;
	v9 =	vld [tilespmem:s25+$0xFFFFFFE0]  }
0xcb: {  	v12 =	vor.u32 s29, v0;
	v11 =	vld [tilespmem:s25+$0xFFFFFF80]  }
0xcc: {  	v14 =	vor.u32 s29, v1;
	v13 =	vld [tilespmem:s25+$0xFFFFFF90]  }
0xcd: {  	v16 =	vor.u32 s29, v2;
	v15 =	vld [tilespmem:s25+$0xFFFFFFA0]  }
0xce: {  	v18 =	vor.u32 s29, v3;
	v17 =	vld [tilespmem:s25+$0xFFFFFFB0]  }
0xcf: {  	v20 =	vor.u32 s29, v4;
	v19 =	vld [tilespmem:s25+$0xFFFFFFC0]  }
0xd0: {  	v10 =	vld [tilespmem:s25+$0xFFFFFFD0];
	[tilespmem:v12+s2+$0x0] =	vst.idx.msk $0xffff, v11;
	v11 =	vor.u32 s29, v5  }
0xd1: {  	v12 =	vor.u32 s29, v6;
	[tilespmem:v14+s2+$0x0] =	vst.idx.msk $0xffff, v13  }
0xd2: {  	v13 =	vor.u32 s29, v7;
	[tilespmem:v16+s2+$0x0] =	vst.idx.msk $0xffff, v15  }
0xd3: {  	[tilespmem:v18+s2+$0x0] =	vst.idx.msk $0xffff, v17  }
0xd4: {  	[tilespmem:v20+s2+$0x0] =	vst.idx.msk $0xffff, v19  }
0xd5: {  	[tilespmem:v11+s2+$0x0] =	vst.idx.msk $0xffff, v10  }
0xd6: {  	[tilespmem:v12+s2+$0x0] =	vst.idx.msk $0xffff, v9  }
0xd7: {  	[tilespmem:v13+s2+$0x0] =	vst.idx.msk $0xffff, v8  }
0xd8: {  	v16 =	vld [tilespmem:s25+$0x30]  }
0xd9: {  	s30 =	simm.s32 $0x1;
	v13 =	vld [tilespmem:s25+$0x20]  }
0xda: {  	v14 =	vor.u32 s30, v0;
	v15 =	vld [tilespmem:s25+$0x0]  }
0xdb: {  	v17 =	vor.u32 s30, v1;
	v12 =	vld [tilespmem:s25+$0x10]  }
0xdc: {  	v62 =	vor.u32 s30, v2;
	v8 =	vld [tilespmem:s25+$0x50]  }
0xdd: {  	v11 =	vld [tilespmem:s25+$0x40]  }
0xde: {  	v63 =	vor.u32 s30, v3;
	v9 =	vld [tilespmem:s25+$0x60]  }
0xdf: {  	v10 =	vld [tilespmem:s25+$0x70];
	[tilespmem:v14+s2+$0x0] =	vst.idx.msk $0xffff, v15  }
0xe0: {  	[tilespmem:v17+s2+$0x0] =	vst.idx.msk $0xffff, v12;
	v12 =	vor.u32 s30, v4  }
0xe1: {  	[tilespmem:v62+s2+$0x0] =	vst.idx.msk $0xffff, v13;
	v13 =	vor.u32 s30, v5  }
0xe2: {  	v14 =	vor.u32 s30, v6  }
0xe3: {  	s26 =	simm.s32 $0x2;
	v15 =	vor.u32 s30, v7;
	[tilespmem:v63+s2+$0x0] =	vst.idx.msk $0xffff, v16  }
.LBB2_8:
0xe4: {  	p1 =	sne.s32 s26, $0x3E  }
0xe5: {  	[tilespmem:v12+s2+$0x0] =	vst.idx.msk $0xffff, v11;
	s25 =	sadd.s32 $0x100, s25;
	s3 =	smov.u32 s26;
	s26 =	sadd.s32 $0x2, s26  }
0xe6: {  	[tilespmem:v13+s2+$0x0] =	vst.idx.msk $0xffff, v8  }
0xe7: {  	[tilespmem:v14+s2+$0x0] =	vst.idx.msk $0xffff, v9  }
0xe8: {  	[tilespmem:v15+s2+$0x0] =	vst.idx.msk $0xffff, v10  }
0xe9: {  	v8 =	vld [tilespmem:s25+$0xFFFFFFF0]  }
0xea: {  	v9 =	vld [tilespmem:s25+$0xFFFFFFE0]  }
0xeb: {  	v10 =	vld [tilespmem:s25+$0xFFFFFFD0]  }
0xec: {  	v12 =	vor.u32 s3, v0;
	v11 =	vld [tilespmem:s25+$0xFFFFFF80]  }
0xed: {  	v14 =	vor.u32 s3, v1;
	v13 =	vld [tilespmem:s25+$0xFFFFFF90]  }
0xee: {  	v16 =	vor.u32 s3, v2;
	v15 =	vld [tilespmem:s25+$0xFFFFFFA0]  }
0xef: {  	v18 =	vor.u32 s3, v3;
	v17 =	vld [tilespmem:s25+$0xFFFFFFB0]  }
0xf0: {  	v20 =	vor.u32 s3, v4;
	v19 =	vld [tilespmem:s25+$0xFFFFFFC0]  }
0xf1: {  	[tilespmem:v12+s2+$0x0] =	vst.idx.msk $0xffff, v11;
	v11 =	vor.u32 s3, v5  }
0xf2: {  	v12 =	vor.u32 s3, v6;
	[tilespmem:v14+s2+$0x0] =	vst.idx.msk $0xffff, v13  }
0xf3: {  	v13 =	vor.u32 s3, v7;
	[tilespmem:v16+s2+$0x0] =	vst.idx.msk $0xffff, v15  }
0xf4: {  	[tilespmem:v18+s2+$0x0] =	vst.idx.msk $0xffff, v17  }
0xf5: {  	[tilespmem:v20+s2+$0x0] =	vst.idx.msk $0xffff, v19  }
0xf6: {  	[tilespmem:v11+s2+$0x0] =	vst.idx.msk $0xffff, v10  }
0xf7: {  	[tilespmem:v12+s2+$0x0] =	vst.idx.msk $0xffff, v9  }
0xf8: {  	[tilespmem:v13+s2+$0x0] =	vst.idx.msk $0xffff, v8  }
0xf9: {  	v16 =	vld [tilespmem:s25+$0x30]  }
0xfa: {  	s3 =	sadd.s32 $0x1, s3;
	v17 =	vld [tilespmem:s25+$0x20]  }
0xfb: {  	v14 =	vor.u32 s3, v0;
	v15 =	vld [tilespmem:s25+$0x10]  }
0xfc: {  	v19 =	vor.u32 s3, v1;
	v18 =	vld [tilespmem:s25+$0x0]  }
0xfd: {  	v20 =	vor.u32 s3, v2;
	v8 =	vld [tilespmem:s25+$0x50]  }
0xfe: {  	v21 =	vor.u32 s3, v3;
	v11 =	vld [tilespmem:s25+$0x40]  }
0xff: {  	v12 =	vor.u32 s3, v4;
	v9 =	vld [tilespmem:s25+$0x60]  }
.Ltmp7:
0x100: {  	v13 =	vor.u32 s3, v5;
	v10 =	vld [tilespmem:s25+$0x70];
	(pc) =	sbr.rel @p1 .LBB2_8-.Ltmp7, $4  }
0x101: {  	[tilespmem:v14+s2+$0x0] =	vst.idx.msk $0xffff, v18;
	v14 =	vor.u32 s3, v6  }
0x102: {  	[tilespmem:v19+s2+$0x0] =	vst.idx.msk $0xffff, v15;
	v15 =	vor.u32 s3, v7  }
0x103: {  	[tilespmem:v20+s2+$0x0] =	vst.idx.msk $0xffff, v17  }
0x104: {  	[tilespmem:v21+s2+$0x0] =	vst.idx.msk $0xffff, v16  }
0x105: {  	_ =	sdelay $0x3  }
0x106: {  	[tilespmem:v12+s2+$0x0] =	vst.idx.msk $0xffff, v11  }
0x107: {  	[tilespmem:v13+s2+$0x0] =	vst.idx.msk $0xffff, v8  }
0x108: {  	s3 =	sshll.u32 s24, $0xB;
	[tilespmem:v14+s2+$0x0] =	vst.idx.msk $0xffff, v9  }
0x109: {  	s3 =	sadd.s32 s6, s3;
	[tilespmem:v15+s2+$0x0] =	vst.idx.msk $0xffff, v10  }
0x10a: {  	[hbm4b:s3+s4] =	stream.linear.scatter [tilespmem:s2], [sflag:$0x4], $0x400, $0x38;
	[tilespmem:$0x14000] =	vst v63  }
0x10b: {  	s25 =	simm.s32 $0xC800;
	s26 =	sadd.s32 $0x80, s3  }
0x10c: {  	[hbm4b:s26+s4] =	stream.linear.scatter [tilespmem:s25], [sflag:$0x4], $0x400, $0x38;
	[tilespmem:$0x14000] =	vst v63  }
0x10d: {  	s28 =	sadd.s32 $0x100, s3  }
0x10e: {  	[hbm4b:s28+s4] =	stream.linear.scatter [tilespmem:s1], [sflag:$0x4], $0x400, $0x38;
	[tilespmem:$0x14000] =	vst v63  }
0x10f: {  	s29 =	sadd.s32 $0x180, s3  }
0x110: {  	[hbm4b:s29+s4] =	stream.linear.scatter [tilespmem:s11], [sflag:$0x4], $0x400, $0x38;
	[tilespmem:$0x14000] =	vst v63  }
0x111: {  	s30 =	sadd.s32 $0x200, s3  }
0x112: {  	[hbm4b:s30+s4] =	stream.linear.scatter [tilespmem:s12], [sflag:$0x4], $0x400, $0x38;
	[tilespmem:$0x14000] =	vst v63  }
0x113: {  	s25 =	sadd.s32 $0x280, s3  }
0x114: {  	[hbm4b:s25+s4] =	stream.linear.scatter [tilespmem:s7], [sflag:$0x4], $0x400, $0x38;
	[tilespmem:$0x14000] =	vst v63  }
0x115: {  	s26 =	sadd.s32 $0x300, s3  }
0x116: {  	[hbm4b:s26+s4] =	stream.linear.scatter [tilespmem:s9], [sflag:$0x4], $0x400, $0x38;
	[tilespmem:$0x14000] =	vst v63  }
0x117: {  	s28 =	sadd.s32 $0x380, s3  }
0x118: {  	[hbm4b:s28+s4] =	stream.linear.scatter [tilespmem:s10], [sflag:$0x4], $0x400, $0x38;
	[tilespmem:$0x14000] =	vst v63  }
0x119: {  	s29 =	sadd.s32 $0x400, s3  }
0x11a: {  	[hbm4b:s29+s4] =	stream.linear.scatter [tilespmem:s15], [sflag:$0x4], $0x400, $0x38;
	[tilespmem:$0x14000] =	vst v63  }
0x11b: {  	s30 =	sadd.s32 $0x480, s3  }
0x11c: {  	[hbm4b:s30+s4] =	stream.linear.scatter [tilespmem:s16], [sflag:$0x4], $0x400, $0x38;
	[tilespmem:$0x14000] =	vst v63  }
0x11d: {  	s25 =	sadd.s32 $0x500, s3  }
0x11e: {  	[hbm4b:s25+s4] =	stream.linear.scatter [tilespmem:s17], [sflag:$0x4], $0x400, $0x38;
	[tilespmem:$0x14000] =	vst v63  }
0x11f: {  	s26 =	sadd.s32 $0x580, s3  }
0x120: {  	[hbm4b:s26+s4] =	stream.linear.scatter [tilespmem:s18], [sflag:$0x4], $0x400, $0x38;
	[tilespmem:$0x14000] =	vst v63  }
0x121: {  	s28 =	sadd.s32 $0x600, s3  }
0x122: {  	[hbm4b:s28+s4] =	stream.linear.scatter [tilespmem:s19], [sflag:$0x4], $0x400, $0x38;
	[tilespmem:$0x14000] =	vst v63  }
0x123: {  	s29 =	sadd.s32 $0x680, s3  }
0x124: {  	[hbm4b:s29+s4] =	stream.linear.scatter [tilespmem:s20], [sflag:$0x4], $0x400, $0x38;
	[tilespmem:$0x14000] =	vst v63  }
.Ltmp8:
0x125: {  	_ = 	snop;
	(pc) =	sbr.rel .LBB2_10-.Ltmp8, $4  }
0x126: {  	s30 =	sadd.s32 $0x700, s3  }
0x127: {  	[hbm4b:s30+s4] =	stream.linear.scatter [tilespmem:s21], [sflag:$0x4], $0x400, $0x38;
	[tilespmem:$0x14000] =	vst v63  }
0x128: {  	s3 =	sadd.s32 $0x780, s3  }
0x129: {  	[hbm4b:s3+s4] =	stream.linear.scatter [tilespmem:s22], [sflag:$0x4], $0x400, $0x38;
	[tilespmem:$0x14000] =	vst v63  }
.LBB2_12:
0x12a: {  	_ =	sfence.sel $0x180000  }
0x12b: {  	[bflag:$0x0] =	sbarrier.arrive $0xFFFF  }
0x12c: {  	_ =	strace $0x90000047  }
0x12d: {  	s0 =	stileid.u32;
	[bflag:$0x2] =	sbarrier.arrive $0xFFFF  }
0x12e: {  	p0 =	sne.s32 s0, $0x0;
	s0 =	rddreg [dreg:$0x3]  }
0x12f: {  	s0 =	sadd.s32 @!p0 $0x100000, s0  }
0x130: {  	[sflag:s0] =	ssyncadd.tile.s32 @!p0 $0x1;
	_ =	shalt  }
.Lfunc_end2:
_tile_overlayer_lowered:
.L_overlay_start_2:
0x131: {  	(tag) =	ssettag $0x2  }
0x132: {  	s0 =	rddreg [dreg:$0x0];
	s2 =	stileid.u32  }
0x133: {  	s1 =	rddreg [dreg:$0x1];
	p0 =	sne.s32 s2, $0x0  }
0x134: {  	s3 =	rddreg [dreg:$0x2];
	[bflag:$0x3] =	sbarrier.arrive $0xFFFF;
	s2 =	simm.s32 @!p0 $0x1C05  }
0x135: {  	[timem:s3], [sflag:s2] =	dma.local @!p0 [hbm:s0], s1  }
0x136: {  	s0 =	simm.s32 @!p0 $0x5  }
0x137: {  	_ =	swait.ge @!p0 [sflag:s0], s1  }
0x138: {  	s1 =	ssub.s32 @!p0 $0x0, s1;
	[sflag:s0] =	ssyncset.done @!p0 $0x0  }
0x139: {  	[sflag:s0] =	ssyncadd.s32 @!p0 s1  }
0x13a: {  	[bflag:$0x3] =	sbarrier.arrive $0xFFFF  }
0x13b: {  	_ =	shalt  }

// kernel: kernel.7.cloned.1.call-start
scs
__scs_entry_jumppad:
0x0: {  	(pc) =	sbr.rel $0x88, $3  }
0x1: {  	(tag) =	ssettag $0x0;
	lr =	simm.s32 $0x1  }
0x2: {  	[smem:$0x3F9F] =	sst lr;
	_ =	strace $0xD0000000  }
0x3: {  	_ = 	snop  }
0x4: {  	_ = 	snop  }
0x5: {  	_ = 	snop  }
0x6: {  	_ = 	snop  }
0x7: {  	_ = 	snop  }
__scs_overlays_trampoline_lowered:
0x8: {  	[smem:$0x3FAE] =	sst s0  }
0x9: {  	[smem:$0x3FAF] =	sst s1  }
0xa: {  	[smem:$0x3FB0] =	sst s2  }
0xb: {  	[smem:$0x3FB1] =	sst s3  }
0xc: {  	[smem:$0x3FB2] =	sst s4  }
0xd: {  	[smem:$0x3FB3] =	sst s5  }
0xe: {  	[smem:$0x3FB4] =	sst s6  }
0xf: {  	[smem:$0x3FB5] =	sst s7  }
0x10: {  	[smem:$0x3FB6] =	sst s8  }
0x11: {  	[smem:$0x3FB7] =	sst s9;
	s0 =	simm.s32 @!p0 $0x0  }
0x12: {  	s1 =	sld [smem:$0x3F9D];
	s0 =	simm.s32 @p0 $0x1  }
0x13: {  	[smem:$0x3FB8] =	sst s0;
	s0 =	simm.s32 @!p1 $0x0  }
0x14: {  	s2 =	sld [smem:$0x3F9C];
	s0 =	simm.s32 @p1 $0x1  }
0x15: {  	[smem:$0x3FB9] =	sst s0;
	s0 =	simm.s32 @!p2 $0x0  }
0x16: {  	s3 =	sld [smem:$0x3FDB];
	s0 =	simm.s32 @p2 $0x1  }
0x17: {  	s4 =	simm.s32 $0x1BF5;
	[smem:$0x3FBB] =	sst s0  }
0x18: {  	s0 =	sld [smem:$0x3F9E];
	_ =	swait.ge [sflag:s4], $0x0  }
0x19: {  	s7 =	sld [smem:$0x3F9F]  }
0x1a: {  	s8 =	sadd.s32 $0xFFFFE003, lr  }
0x1b: {  	s9 =	sadd.s32 $0xFFFFFEF7, lr;
	s5 =	simm.s32 $0xFFFFFFFF;
	p2 =	slt.u32 s8, $0xFFFFF086  }
0x1c: {  	p1 =	slt.u32 s9, $0xF7A;
	s5 =	simm.s32 @!p2 $0x0  }
0x1d: {  	s5 =	simm.s32 @p1 $0x1;
	p0 =	seq.s32 s7, s2  }
0x1e: {  	s7 =	smul.u32 @!p0 $0xF7A, s2;
	p2 =	seq.s32 @!p0 s5, $0x0  }
0x1f: {  	s9 =	smul.u32 $0xF7A, s1;
	s8 =	simm.s32 @!p0 $0x1BF5;
	p2 =	por !p2, p0  }
0x20: {  	[sflag:s8] =	ssyncset.s32 @!p0 $0xFFFFF086;
	s6 =	sadd.s32 @!p0 s3, s7;
	s7 =	simm.s32 @!p0 $0x108  }
0x21: {  	s3 =	sadd.s32 s3, s9;
	s6 =	sadd.s32 @!p0 $0x88, s6;
	s7 =	simm.s32 @p2 $0x1082  }
0x22: {  	[simem:s7], [sflag:s8] =	dma.local @!p0 [hbm:s6], $0xF7A  }
0x23: {  	s9 =	sor.u32 $0xD0000000, s2;
	s6 =	simm.s32 $0x108;
	_ =	swait.ge @!p0 [sflag:s8], $0x0  }
0x24: {  	s3 =	sadd.s32 $0x88, s3;
	s6 =	simm.s32 @!p1 $0x1082;
	[sflag:s4] =	ssyncset.s32 $0xFFFFF086  }
0x25: {  	[simem:s6], [sflag:s4] =	dma.local [hbm:s3], $0xF7A  }
0x26: {  	[smem:$0x3F9F] =	sst s1;
	(tag) =	ssettag s2;
	_ =	strace s9  }
0x27: {  	s1 =	sld [smem:$0x3FAF]  }
0x28: {  	s2 =	sld [smem:$0x3FB0]  }
0x29: {  	s4 =	sld [smem:$0x3FB2]  }
0x2a: {  	p0 =	seq.s32 s5, $0x0;
	s5 =	sld [smem:$0x3FB3]  }
0x2b: {  	s6 =	sld [smem:$0x3FB4]  }
0x2c: {  	s7 =	sld [smem:$0x3FB5]  }
0x2d: {  	s3 =	simm.s32 $0x108;
	s8 =	sld [smem:$0x3FB6]  }
0x2e: {  	s3 =	simm.s32 @!p0 $0x1082;
	s9 =	sld [smem:$0x3FB7]  }
0x2f: {  	lr =	sadd.s32 s0, s3;
	s0 =	sld [smem:$0x3FAE]  }
0x30: {  	s3 =	sld [smem:$0x3FB1]  }
0x31: {  	[smem:$0x3FBA] =	sst s10  }
0x32: {  	s10 =	sld [smem:$0x3FB8];
	_ =	sdelay $0x3  }
0x33: {  	p0 =	seq.s32 s10, $0x1;
	s10 =	sld [smem:$0x3FBA];
	_ =	sdelay $0x3  }
0x34: {  	[smem:$0x3FBA] =	sst s10  }
0x35: {  	s10 =	sld [smem:$0x3FB9];
	_ =	sdelay $0x3  }
0x36: {  	p1 =	seq.s32 s10, $0x1;
	s10 =	sld [smem:$0x3FBA];
	_ =	sdelay $0x3  }
0x37: {  	[smem:$0x3FBA] =	sst s10  }
0x38: {  	s10 =	sld [smem:$0x3FBB]  }
0x39: {  	_ = 	snop;
	(pc) =	sbr.ind lr, $3  }
0x3a: {  	_ = 	snop  }
0x3b: {  	_ = 	snop  }
0x3c: {  	p2 =	seq.s32 s10, $0x1;
	s10 =	sld [smem:$0x3FBA]  }
0x3d: {  	_ =	shalt  }
0x3e: {  	_ =	shalt  }
0x3f: {  	_ =	shalt  }
0x40: {  	_ =	shalt  }
0x41: {  	_ =	shalt  }
0x42: {  	_ =	shalt  }
0x43: {  	_ =	shalt  }
0x44: {  	_ =	shalt  }
0x45: {  	_ =	shalt  }
0x46: {  	_ =	shalt  }
0x47: {  	_ =	shalt  }
0x48: {  	_ =	shalt  }
0x49: {  	_ =	shalt  }
0x4a: {  	_ =	shalt  }
0x4b: {  	_ =	shalt  }
0x4c: {  	_ =	shalt  }
0x4d: {  	_ =	shalt  }
0x4e: {  	_ =	shalt  }
0x4f: {  	_ =	shalt  }
0x50: {  	_ =	shalt  }
0x51: {  	_ =	shalt  }
0x52: {  	_ =	shalt  }
0x53: {  	_ =	shalt  }
0x54: {  	_ =	shalt  }
0x55: {  	_ =	shalt  }
0x56: {  	_ =	shalt  }
0x57: {  	_ =	shalt  }
0x58: {  	_ =	shalt  }
0x59: {  	_ =	shalt  }
0x5a: {  	_ =	shalt  }
0x5b: {  	_ =	shalt  }
0x5c: {  	_ =	shalt  }
0x5d: {  	_ =	shalt  }
0x5e: {  	_ =	shalt  }
0x5f: {  	_ =	shalt  }
0x60: {  	_ =	shalt  }
0x61: {  	_ =	shalt  }
0x62: {  	_ =	shalt  }
0x63: {  	_ =	shalt  }
0x64: {  	_ =	shalt  }
0x65: {  	_ =	shalt  }
0x66: {  	_ =	shalt  }
0x67: {  	_ =	shalt  }
0x68: {  	_ =	shalt  }
0x69: {  	_ =	shalt  }
0x6a: {  	_ =	shalt  }
0x6b: {  	_ =	shalt  }
0x6c: {  	_ =	shalt  }
0x6d: {  	_ =	shalt  }
0x6e: {  	_ =	shalt  }
0x6f: {  	_ =	shalt  }
0x70: {  	_ =	shalt  }
0x71: {  	_ =	shalt  }
0x72: {  	_ =	shalt  }
0x73: {  	_ =	shalt  }
0x74: {  	_ =	shalt  }
0x75: {  	_ =	shalt  }
0x76: {  	_ =	shalt  }
0x77: {  	_ =	shalt  }
0x78: {  	_ =	shalt  }
0x79: {  	_ =	shalt  }
0x7a: {  	_ =	shalt  }
0x7b: {  	_ =	shalt  }
0x7c: {  	_ =	shalt  }
0x7d: {  	_ =	shalt  }
0x7e: {  	_ =	shalt  }
0x7f: {  	_ =	shalt  }
0x80: {  	_ =	shalt  }
0x81: {  	_ =	shalt  }
0x82: {  	_ =	shalt  }
0x83: {  	_ =	shalt  }
0x84: {  	_ =	shalt  }
0x85: {  	_ =	shalt  }
0x86: {  	_ =	shalt  }
0x87: {  	_ =	shalt  }
.Lfunc_end0:
.L_simem_size_0:
called_computation.1_lowered:
.L_overlay_start_0:
0x88: {  	s2 =	sld [smem:$0x3FD9]  }
0x89: {  	s3 =	sld [smem:$0x3FFE];
	_ =	sdelay $0x1  }
0x8a: {  	s1 =	srdreg.scid  }
0x8b: {  	s0 =	sand.u32 $0x1, s1  }
0x8c: {  	s17 =	sshll.u32 s0, $0xA;
	s2 =	sadd.s32 s3, s2  }
0x8d: {  	s2 =	sadd.s32 s2, s17  }
0x8e: {  	[smem:$0x3FC6] =	sst s2  }
0x8f: {  	_ = 	snop  }
0x90: {  	s2 =	sld [smem:$0x3FC9]  }
0x91: {  	s18 =	sld [smem:$0x3FD0];
	(tm) =	ssettm $0x1  }
0x92: {  	s4 =	sld [smem:$0x3FFB];
	_ =	sdelay $0x3  }
0x93: {  	_ =	strace s4  }
0x94: {  	s4 =	sld [smem:$0x3FFC];
	_ =	sdelay $0x3  }
0x95: {  	_ =	strace s4  }
0x96: {  	s4 =	sld [smem:$0x3FFD];
	_ =	sdelay $0x3  }
0x97: {  	_ =	strace s4  }
0x98: {  	_ =	strace $0x8FFFFFFF  }
0x99: {  	s19 =	sld [smem:$0x3FDB];
	_ =	sdelay $0x1  }
0x9a: {  	s5 =	simm.s32 $_scs_section_size  }
0x9b: {  	s6 =	simm.s32 $_size__tile_overlayer_lowered;
	s7 =	simm.s32 $_tile_overlayer_lowered  }
0x9c: {  	s22 =	simm.s32 $0x1BFF;
	s21 =	sshll.u32 s7, $0x1;
	s4 =	sadd.s32 s5, s19  }
0x9d: {  	s8 =	simm.s32 $0x0;
	s20 =	sshll.u32 s6, $0x1;
	s6 =	sadd.s32 s21, s4  }
0x9e: {  	[timem:s8], [sflag:s22] =	dma.local [hbm:s6], s20  }
0x9f: {  	_ =	swait.ge [sflag:s22], s20  }
0xa0: {  	s5 =	ssub.s32 $0x0, s20;
	[sflag:s22] =	ssyncset.done $0x0  }
0xa1: {  	[sflag:s22] =	ssyncadd.s32 s5;
	_ =	sdelay $0x1  }
0xa2: {  	s23 =	simm.s32 $0x1B8B  }
0xa3: {  	_ =	swait.ge [sflag:s23], $0x1  }
0xa4: {  	[sflag:s23] =	ssyncset.done $0x0  }
0xa5: {  	s25 =	simm.s32 $0x1B8E;
	s24 =	sld [smem:$0x3FFE];
	[sflag:s23] =	ssyncadd.s32 $0xFFFFFFFF  }
0xa6: {  	s26 =	simm.s32 $execute0_lowered;
	[smem:$0x3FD2] =	sst s25  }
0xa7: {  	s6 =	sshll.u32 s26, $0x1;
	_ =	strace $0x80000049;
	[dreg:$0x1] =	wrdreg $0xFFFFFFFF  }
0xa8: {  	s28 =	simm.s32 $_size_execute0_lowered;
	s4 =	sadd.s32 s4, s6;
	[dreg:$0x0] =	wrdreg $0x0  }
0xa9: {  	s6 =	sshll.u32 s28, $0x1;
	[dreg:$0x2] =	wrdreg s4  }
0xaa: {  	[dreg:$0x3] =	wrdreg s6  }
0xab: {  	[dreg:$0x4] =	wrdreg $0xC0  }
0xac: {  	_ =	task [dreg:s8], $0x5FFFF  }
0xad: {  	[dreg:$0x1] =	wrdreg $0xFFFFFFFF  }
0xae: {  	[dreg:$0x0] =	wrdreg $0x60  }
0xaf: {  	[dreg:$0x2] =	wrdreg s24  }
0xb0: {  	[dreg:$0x3] =	wrdreg s2  }
0xb1: {  	[dreg:$0x4] =	wrdreg s18  }
0xb2: {  	[dreg:$0x5] =	wrdreg $0x9  }
0xb3: {  	_ =	task.clear_ibuf [dreg:s8], $0x6FFFF;
	_ =	strace $0x90000049  }
0xb4: {  	s29 =	simm.s32 $0x9;
	_ =	strace $0x8000004B  }
0xb5: {  	_ =	swait.ge [sflag:s29], $0x1  }
0xb6: {  	[sflag:s29] =	ssyncadd.s32 $0xFFFFFFFF  }
0xb7: {  	_ =	strace $0x9000004B  }
0xb8: {  	_ =	sfence  }
0xb9: {  	s30 =	sld [smem:$0x0];
	_ =	sdelay $0x2  }
0xba: {  	s31 =	sshll.u32 s1, $0xD;
	s1 =	sshrl.u32 s1, $0x2  }
0xbb: {  	s3 =	sand.u32 $0x4000, s31;
	s1 =	sadd.s32 s1, s30  }
0xbc: {  	s0 =	sor.u32 s3, s0;
	s1 =	sshll.u32 s1, $0x11  }
0xbd: {  	s0 =	sor.u32 s1, s0  }
0xbe: {  	s0 =	sadd.s32 $0x8F2B, s0  }
0xbf: {  	[sflag:s0] =	ssyncadd.remote.s32 $0x1  }
0xc0: {  	_ =	sfence.sel $0xFFFF  }
0xc1: {  	[dreg:$0x0] =	wrdreg $0xFFFFFFFF;
	(pc) =	sbr.abs _section_cstart, $3  }
0xc2: {  	[dreg:$0x1] =	wrdreg $0xFFFFFFFF  }
0xc3: {  	_ =	task.clear_ibuf [dreg:s8], $0x2FFFF;
	_ =	strace $0x9FFFFFFF  }
0xc4: {  	(tm) =	ssettm $0x7FFFFFFF  }
0xc5: {  	_ =	shalt  }
tec
execute0_lowered:
.L_overlay_start_1:
0x0: {  	(tag) =	ssettag $0x1  }
0x1: {  	v0 =	vimm.s32 $0xB80  }
0x2: {  	vm14 =	vcmask $0x300;
	vm13 =	vcmask $0x704;
	vm12 =	vcmask $0xB08  }
0x3: {  	vm11 =	vcmask $0xF0C;
	vm10 =	vcmask $0x1310;
	vm9 =	vcmask $0x1714  }
0x4: {  	vm8 =	vcmask $0x1B18;
	vm7 =	vcmask $0x1F1C;
	vm6 =	vcmask $0x2320  }
0x5: {  	vm5 =	vcmask $0x2724;
	vm4 =	vcmask $0x2B28;
	vm3 =	vcmask $0x2F2C  }
0x6: {  	vm2 =	vcmask $0x3330;
	vm1 =	vcmask $0x3734;
	vm0 =	vcmask $0x3B38  }
0x7: {  	v1 =	vimm.s32 $0x1B80;
	v2 =	vimm.s32 $0x2B80;
	v3 =	vimm.s32 $0x3B80  }
0x8: {  	v0 =	vsel vm14, $0x0, v0;
	v1 =	vsel vm14, $0x1000, v1;
	v2 =	vsel vm14, $0x2000, v2  }
0x9: {  	v3 =	vsel vm14, $0x3000, v3;
	v0 =	vsel vm13, $0x80, v0;
	v1 =	vsel vm13, $0x1080, v1  }
0xa: {  	v2 =	vsel vm13, $0x2080, v2;
	v3 =	vsel vm13, $0x3080, v3;
	v0 =	vsel vm12, $0x100, v0  }
0xb: {  	v1 =	vsel vm12, $0x1100, v1;
	v2 =	vsel vm12, $0x2100, v2;
	v3 =	vsel vm12, $0x3100, v3  }
0xc: {  	s0 =	rddreg [dreg:$0x0];
	v0 =	vsel vm11, $0x180, v0;
	v1 =	vsel vm11, $0x1180, v1;
	v2 =	vsel vm11, $0x2180, v2  }
0xd: {  	s2 =	rddreg [dreg:$0x1];
	v3 =	vsel vm11, $0x3180, v3;
	v0 =	vsel vm10, $0x200, v0;
	v1 =	vsel vm10, $0x1200, v1  }
0xe: {  	s1 =	rddreg [dreg:$0x2];
	s4 =	srdreg.scid;
	s3 =	simm.s32 $0x0;
	v2 =	vsel vm10, $0x2200, v2;
	v3 =	vsel vm10, $0x3200, v3;
	v0 =	vsel vm9, $0x280, v0  }
0xf: {  	s6 =	stileid.u32;
	s11 =	simm.s32 $0x80;
	s12 =	simm.s32 $0x6400;
	v1 =	vsel vm9, $0x1280, v1;
	v2 =	vsel vm9, $0x2280, v2;
	v3 =	vsel vm9, $0x3280, v3  }
0x10: {  	s13 =	simm.s32 $0xA400;
	s14 =	simm.s32 $0x1;
	s15 =	simm.s32 $0xE400;
	v0 =	vsel vm8, $0x300, v0;
	v1 =	vsel vm8, $0x1300, v1;
	v2 =	vsel vm8, $0x2300, v2  }
0x11: {  	s16 =	simm.s32 $0xEC00;
	s17 =	simm.s32 $0xF400;
	s18 =	simm.s32 $0xFC00;
	v3 =	vsel vm8, $0x3300, v3;
	v0 =	vsel vm7, $0x380, v0;
	v1 =	vsel vm7, $0x1380, v1  }
0x12: {  	s19 =	simm.s32 $0x10400;
	s20 =	simm.s32 $0x10C00;
	s21 =	simm.s32 $0x11400;
	v2 =	vsel vm7, $0x2380, v2;
	v3 =	vsel vm7, $0x3380, v3;
	v0 =	vsel vm6, $0x800, v0  }
0x13: {  	s22 =	simm.s32 $0x11C00;
	s28 =	simm.s32 $0x13400;
	s29 =	simm.s32 $0x13C00;
	v1 =	vsel vm6, $0x1800, v1;
	v2 =	vsel vm6, $0x2800, v2;
	v3 =	vsel vm6, $0x3800, v3  }
0x14: {  	s30 =	simm.s32 $0x14400;
	s31 =	simm.s32 $0x14C00;
	s4 =	sand.u32 $0x1, s4;
	v0 =	vsel vm5, $0x880, v0;
	v1 =	vsel vm5, $0x1880, v1;
	v2 =	vsel vm5, $0x2880, v2  }
0x15: {  	s6 =	sshll.u32 s6, $0xB;
	s5 =	ssub.s32 $0x2, s4;
	s4 =	sshll.u32 s4, $0xA;
	v3 =	vsel vm5, $0x3880, v3;
	v0 =	vsel vm4, $0x900, v0;
	v1 =	vsel vm4, $0x1900, v1  }
0x16: {  	[smem:$0x7FF] =	sst s3;
	s7 =	sshrl.u32 s5, $0x1;
	s4 =	sor.u32 s4, s6;
	v2 =	vsel vm4, $0x2900, v2;
	v3 =	vsel vm4, $0x3900, v3;
	v0 =	vsel vm3, $0x980, v0  }
0x17: {  	_ =	strace $0x8000004A;
	s23 =	ssub.s32 s5, s7;
	s24 =	sshrl.u32 s4, $0x3;
	v1 =	vsel vm3, $0x1980, v1;
	v2 =	vsel vm3, $0x2980, v2;
	v3 =	vsel vm3, $0x3980, v3  }
0x18: {  	s5 =	sadd.s32 $0x800, s0;
	s0 =	simm.s32 $0x15400;
	s7 =	simm.s32 $0x0;
	v0 =	vsel vm2, $0xA00, v0;
	v1 =	vsel vm2, $0x1A00, v1;
	v2 =	vsel vm2, $0x2A00, v2  }
0x19: {  	s25 =	sadd.s32 s2, s24;
	s26 =	smax.u32 s23, $0x1;
	s23 =	simm.s32 $0x2;
	v3 =	vsel vm2, $0x3A00, v3;
	v0 =	vsel vm1, $0xA80, v0;
	v1 =	vsel vm1, $0x1A80, v1  }
0x1a: {  	s24 =	simm.s32 $0x4;
	s2 =	simm.s32 $0x15C00;
	[dreg:$0x4] =	wrdreg s25;
	v2 =	vsel vm1, $0x2A80, v2;
	v3 =	vsel vm1, $0x3A80, v3;
	v0 =	vsel vm0, $0xB00, v0  }
0x1b: {  	[dreg:$0x5] =	wrdreg s26;
	s25 =	simm.s32 $0x12400;
	s26 =	simm.s32 $0x12C00;
	v1 =	vsel vm0, $0x1B00, v1;
	v2 =	vsel vm0, $0x2B00, v2;
	v3 =	vsel vm0, $0x3B00, v3  }
.LBB2_1:
0x1c: {  	[dreg:$0x6] =	wrdreg s7  }
0x1d: {  	s6 =	rddreg [dreg:$0x4]  }
0x1e: {  	s9 =	simm.s32 $0x400;
	s8 =	simm.s32 $0x8000;
	s10 =	simm.s32 $0x5  }
0x1f: {  	[tilespmem:s3], [sflag:$0x5] =	stream.strided.gather [hbm4b:s6+s9], $0x6400, s8, s9, $0x38;
	[tilespmem:$0x16400] =	vst v63  }
0x20: {  	_ =	swait.ge [sflag:s10], $0x6400  }
0x21: {  	[sflag:s10] =	ssyncset.done $0x0  }
0x22: {  	s6 =	simm.s32 $0x0;
	[sflag:s10] =	ssyncadd.s32 $0xFFFF9C00  }
0x23: {  	[tilespmem:s12], [sflag:$0x1] =	stream.indirect.gather [hbm4b:s5+s11], $0x80, s3, s11, $0xb8;
	[tilespmem:$0x16400] =	vst v63  }
.LBB2_2:
0x24: {  	s7 =	sshllo.u32 s6, $0x1  }
0x25: {  	s8 =	sshll.u32 s7, $0x7  }
0x26: {  	s8 =	sand.u32 $0x3FFFFF80, s8  }
0x27: {  	[tilespmem:s13], [sflag:$0x2] =	stream.indirect.gather [hbm4b:s5+s11], $0x80, s8, s11, $0xb8;
	[tilespmem:$0x16400] =	vst v63  }
0x28: {  	_ =	swait.ge [sflag:s14], $0x4000  }
0x29: {  	p0 =	seq.s32 s6, $0x0;
	[sflag:s14] =	ssyncset.done $0x0  }
0x2a: {  	s8 =	simm.s32 @!p0 $0x3;
	[sflag:s14] =	ssyncadd.s32 $0xFFFFC000  }
0x2b: {  	_ =	swait.ge @!p0 [sflag:s8], $0x2000  }
0x2c: {  	[sflag:s8] =	ssyncset.done @!p0 $0x0  }
0x2d: {  	s9 =	simm.s32 $0x0;
	s10 =	simm.s32 $0x6480;
	[sflag:s8] =	ssyncadd.s32 @!p0 $0xFFFFE000  }
0x2e: {  	v5 =	vor.u32 s9, v0;
	v4 =	vld [tilespmem:s10+$0xFFFFFF80]  }
0x2f: {  	v7 =	vor.u32 s9, v1;
	v6 =	vld [tilespmem:s10+$0xFFFFFF90]  }
0x30: {  	v9 =	vor.u32 s9, v2;
	v8 =	vld [tilespmem:s10+$0xFFFFFFA0]  }
0x31: {  	v11 =	vor.u32 s9, v3;
	v10 =	vld [tilespmem:s10+$0xFFFFFFB0];
	_ =	sdelay $0x1  }
0x32: {  	[tilespmem:v5+s15+$0x0] =	vst.idx.msk $0xffff, v4  }
0x33: {  	[tilespmem:v7+s15+$0x0] =	vst.idx.msk $0xffff, v6  }
0x34: {  	[tilespmem:v9+s15+$0x0] =	vst.idx.msk $0xffff, v8  }
0x35: {  	s9 =	simm.s32 $0x1;
	[tilespmem:v11+s15+$0x0] =	vst.idx.msk $0xffff, v10  }
0x36: {  	v6 =	vor.u32 s9, v0;
	v5 =	vld [tilespmem:s10+$0x0];
	_ =	sdelay $0x1  }
0x37: {  	v62 =	vor.u32 s9, v1;
	v7 =	vld [tilespmem:s10+$0x10]  }
0x38: {  	v63 =	vor.u32 s9, v2;
	v9 =	vld [tilespmem:s10+$0x20];
	_ =	sdelay $0x1  }
0x39: {  	v4 =	vld [tilespmem:s10+$0x30];
	[tilespmem:v6+s15+$0x0] =	vst.idx.msk $0xffff, v5;
	v5 =	vor.u32 s9, v3;
	_ =	sdelay $0x1  }
0x3a: {  	[tilespmem:v62+s15+$0x0] =	vst.idx.msk $0xffff, v7  }
0x3b: {  	s8 =	simm.s32 $0x2;
	[tilespmem:v63+s15+$0x0] =	vst.idx.msk $0xffff, v9  }
.LBB2_3:
0x3c: {  	p1 =	sne.s32 s8, $0x7E  }
0x3d: {  	[tilespmem:v5+s15+$0x0] =	vst.idx.msk $0xffff, v4;
	s10 =	sadd.s32 $0x100, s10;
	s9 =	smov.u32 s8;
	s8 =	sadd.s32 $0x2, s8  }
0x3e: {  	v4 =	vld [tilespmem:s10+$0xFFFFFF80];
	v5 =	vor.u32 s9, v0  }
0x3f: {  	v7 =	vor.u32 s9, v1;
	v6 =	vld [tilespmem:s10+$0xFFFFFF90]  }
0x40: {  	v9 =	vor.u32 s9, v2;
	v8 =	vld [tilespmem:s10+$0xFFFFFFA0]  }
0x41: {  	v11 =	vor.u32 s9, v3;
	v10 =	vld [tilespmem:s10+$0xFFFFFFB0];
	_ =	sdelay $0x1  }
0x42: {  	[tilespmem:v5+s15+$0x0] =	vst.idx.msk $0xffff, v4  }
0x43: {  	[tilespmem:v7+s15+$0x0] =	vst.idx.msk $0xffff, v6  }
0x44: {  	[tilespmem:v9+s15+$0x0] =	vst.idx.msk $0xffff, v8  }
0x45: {  	s9 =	sadd.s32 $0x1, s9;
	[tilespmem:v11+s15+$0x0] =	vst.idx.msk $0xffff, v10  }
0x46: {  	v7 =	vor.u32 s9, v0;
	v6 =	vld [tilespmem:s10+$0x0]  }
0x47: {  	v9 =	vor.u32 s9, v1;
	v8 =	vld [tilespmem:s10+$0x10]  }
0x48: {  	v11 =	vor.u32 s9, v2;
	v10 =	vld [tilespmem:s10+$0x20]  }
.Ltmp0:
0x49: {  	v5 =	vor.u32 s9, v3;
	v4 =	vld [tilespmem:s10+$0x30];
	(pc) =	sbr.rel @p1 .LBB2_3-.Ltmp0, $4  }
0x4a: {  	_ = 	snop  }
0x4b: {  	[tilespmem:v7+s15+$0x0] =	vst.idx.msk $0xffff, v6  }
0x4c: {  	[tilespmem:v9+s15+$0x0] =	vst.idx.msk $0xffff, v8  }
0x4d: {  	[tilespmem:v11+s15+$0x0] =	vst.idx.msk $0xffff, v10  }
0x4e: {  	_ = 	snop  }
0x4f: {  	s8 =	sshll.u32 s6, $0x13  }
0x50: {  	s8 =	sor.u32 s4, s8  }
0x51: {  	s8 =	sshrl.u32 s8, $0x3  }
0x52: {  	[tilespmem:v5+s15+$0x0] =	vst.idx.msk $0xffff, v4;
	s8 =	sadd.s32 s1, s8  }
0x53: {  	[hbm4b:s8+s3] =	stream.linear.scatter [tilespmem:s15], [sflag:$0x3], $0x400, $0x38;
	[tilespmem:$0x16400] =	vst v63  }
0x54: {  	s9 =	sadd.s32 $0x1000, s8  }
0x55: {  	[hbm4b:s9+s3] =	stream.linear.scatter [tilespmem:s16], [sflag:$0x3], $0x400, $0x38;
	[tilespmem:$0x16400] =	vst v63  }
0x56: {  	s10 =	sadd.s32 $0x2000, s8  }
0x57: {  	[hbm4b:s10+s3] =	stream.linear.scatter [tilespmem:s17], [sflag:$0x3], $0x400, $0x38;
	[tilespmem:$0x16400] =	vst v63  }
0x58: {  	s10 =	sadd.s32 $0x3000, s8  }
0x59: {  	[hbm4b:s10+s3] =	stream.linear.scatter [tilespmem:s18], [sflag:$0x3], $0x400, $0x38;
	[tilespmem:$0x16400] =	vst v63  }
0x5a: {  	s10 =	sadd.s32 $0x4000, s8  }
0x5b: {  	[hbm4b:s10+s3] =	stream.linear.scatter [tilespmem:s19], [sflag:$0x3], $0x400, $0x38;
	[tilespmem:$0x16400] =	vst v63  }
0x5c: {  	p1 =	sne.s32 s6, $0x63;
	s10 =	sadd.s32 $0x5000, s8  }
0x5d: {  	[hbm4b:s10+s3] =	stream.linear.scatter [tilespmem:s20], [sflag:$0x3], $0x400, $0x38;
	[tilespmem:$0x16400] =	vst v63  }
.Ltmp1:
0x5e: {  	_ = 	snop;
	(pc) =	sbr.rel @p1 .LBB2_6-.Ltmp1, $4  }
0x5f: {  	s10 =	sadd.s32 $0x6000, s8  }
0x60: {  	[hbm4b:s10+s3] =	stream.linear.scatter [tilespmem:s21], [sflag:$0x3], $0x400, $0x38;
	[tilespmem:$0x16400] =	vst v63  }
0x61: {  	s8 =	sadd.s32 $0x7000, s8  }
0x62: {  	[hbm4b:s8+s3] =	stream.linear.scatter [tilespmem:s22], [sflag:$0x3], $0x400, $0x38;
	[tilespmem:$0x16400] =	vst v63  }
.Ltmp2:
0x63: {  	(pc) =	sbr.rel .LBB2_7-.Ltmp2, $4  }
0x64: {  	_ = 	snop  }
0x65: {  	_ =	swait.ge [sflag:s23], $0x4000  }
0x66: {  	[sflag:s23] =	ssyncset.done $0x0  }
0x67: {  	[sflag:s23] =	ssyncadd.s32 $0xFFFFC000  }
.LBB2_6:
0x68: {  	s8 =	sshll.u32 s6, $0x8  }
0x69: {  	s8 =	sand.u32 $0x3FFFFF00, s8  }
.Ltmp3:
0x6a: {  	s8 =	sadd.s32 $0x100, s8;
	(pc) =	sbr.rel @p0 .LBB2_8-.Ltmp3, $4  }
0x6b: {  	[tilespmem:s12], [sflag:$0x1] =	stream.indirect.gather [hbm4b:s5+s11], $0x80, s8, s11, $0xb8;
	[tilespmem:$0x16400] =	vst v63  }
0x6c: {  	_ =	swait.ge [sflag:s23], $0x4000  }
0x6d: {  	[sflag:s23] =	ssyncset.done $0x0  }
0x6e: {  	[sflag:s23] =	ssyncadd.s32 $0xFFFFC000  }
.LBB2_7:
0x6f: {  	_ =	swait.ge [sflag:s24], $0x2000  }
0x70: {  	[sflag:s24] =	ssyncset.done $0x0  }
0x71: {  	[sflag:s24] =	ssyncadd.s32 $0xFFFFE000  }
.LBB2_8:
0x72: {  	s8 =	simm.s32 $0x0;
	s10 =	simm.s32 $0xA480  }
0x73: {  	v4 =	vld [tilespmem:s10+$0xFFFFFF80];
	v5 =	vor.u32 s8, v0  }
0x74: {  	v6 =	vld [tilespmem:s10+$0xFFFFFF90];
	v7 =	vor.u32 s8, v1  }
0x75: {  	v8 =	vld [tilespmem:s10+$0xFFFFFFA0];
	v9 =	vor.u32 s8, v2  }
0x76: {  	v10 =	vld [tilespmem:s10+$0xFFFFFFB0];
	v11 =	vor.u32 s8, v3;
	_ =	sdelay $0x1  }
0x77: {  	[tilespmem:v5+s25+$0x0] =	vst.idx.msk $0xffff, v4  }
0x78: {  	[tilespmem:v7+s25+$0x0] =	vst.idx.msk $0xffff, v6  }
0x79: {  	[tilespmem:v9+s25+$0x0] =	vst.idx.msk $0xffff, v8  }
0x7a: {  	s9 =	simm.s32 $0x1;
	[tilespmem:v11+s25+$0x0] =	vst.idx.msk $0xffff, v10  }
0x7b: {  	v6 =	vor.u32 s9, v0;
	v5 =	vld [tilespmem:s10+$0x0];
	_ =	sdelay $0x1  }
0x7c: {  	v62 =	vor.u32 s9, v1;
	v7 =	vld [tilespmem:s10+$0x10]  }
0x7d: {  	v63 =	vor.u32 s9, v2;
	v9 =	vld [tilespmem:s10+$0x20];
	_ =	sdelay $0x1  }
0x7e: {  	v4 =	vld [tilespmem:s10+$0x30];
	[tilespmem:v6+s25+$0x0] =	vst.idx.msk $0xffff, v5;
	v5 =	vor.u32 s9, v3;
	_ =	sdelay $0x1  }
0x7f: {  	[tilespmem:v62+s25+$0x0] =	vst.idx.msk $0xffff, v7  }
0x80: {  	s8 =	simm.s32 $0x2;
	[tilespmem:v63+s25+$0x0] =	vst.idx.msk $0xffff, v9  }
.LBB2_9:
0x81: {  	p0 =	sne.s32 s8, $0x7E  }
0x82: {  	[tilespmem:v5+s25+$0x0] =	vst.idx.msk $0xffff, v4;
	s10 =	sadd.s32 $0x100, s10;
	s9 =	smov.u32 s8;
	s8 =	sadd.s32 $0x2, s8  }
0x83: {  	v4 =	vld [tilespmem:s10+$0xFFFFFF80];
	v5 =	vor.u32 s9, v0  }
0x84: {  	v7 =	vor.u32 s9, v1;
	v6 =	vld [tilespmem:s10+$0xFFFFFF90]  }
0x85: {  	v9 =	vor.u32 s9, v2;
	v8 =	vld [tilespmem:s10+$0xFFFFFFA0]  }
0x86: {  	v11 =	vor.u32 s9, v3;
	v10 =	vld [tilespmem:s10+$0xFFFFFFB0];
	_ =	sdelay $0x1  }
0x87: {  	[tilespmem:v5+s25+$0x0] =	vst.idx.msk $0xffff, v4  }
0x88: {  	[tilespmem:v7+s25+$0x0] =	vst.idx.msk $0xffff, v6  }
0x89: {  	[tilespmem:v9+s25+$0x0] =	vst.idx.msk $0xffff, v8  }
0x8a: {  	s9 =	sadd.s32 $0x1, s9;
	[tilespmem:v11+s25+$0x0] =	vst.idx.msk $0xffff, v10  }
0x8b: {  	v7 =	vor.u32 s9, v0;
	v6 =	vld [tilespmem:s10+$0x0]  }
0x8c: {  	v9 =	vor.u32 s9, v1;
	v8 =	vld [tilespmem:s10+$0x10]  }
0x8d: {  	v11 =	vor.u32 s9, v2;
	v10 =	vld [tilespmem:s10+$0x20]  }
.Ltmp4:
0x8e: {  	v5 =	vor.u32 s9, v3;
	v4 =	vld [tilespmem:s10+$0x30];
	(pc) =	sbr.rel @p0 .LBB2_9-.Ltmp4, $4  }
0x8f: {  	_ = 	snop  }
0x90: {  	[tilespmem:v7+s25+$0x0] =	vst.idx.msk $0xffff, v6  }
0x91: {  	[tilespmem:v9+s25+$0x0] =	vst.idx.msk $0xffff, v8  }
0x92: {  	[tilespmem:v11+s25+$0x0] =	vst.idx.msk $0xffff, v10  }
0x93: {  	_ = 	snop  }
0x94: {  	s7 =	sshll.u32 s7, $0x12  }
0x95: {  	s7 =	sor.u32 s4, s7  }
0x96: {  	s7 =	sshrl.u32 s7, $0x3  }
0x97: {  	[tilespmem:v5+s25+$0x0] =	vst.idx.msk $0xffff, v4;
	s7 =	sadd.s32 s1, s7  }
0x98: {  	[hbm4b:s7+s3] =	stream.linear.scatter [tilespmem:s25], [sflag:$0x4], $0x400, $0x38;
	[tilespmem:$0x16400] =	vst v63  }
0x99: {  	s8 =	sadd.s32 $0x1000, s7  }
0x9a: {  	[hbm4b:s8+s3] =	stream.linear.scatter [tilespmem:s26], [sflag:$0x4], $0x400, $0x38;
	[tilespmem:$0x16400] =	vst v63  }
0x9b: {  	s10 =	sadd.s32 $0x2000, s7  }
0x9c: {  	[hbm4b:s10+s3] =	stream.linear.scatter [tilespmem:s28], [sflag:$0x4], $0x400, $0x38;
	[tilespmem:$0x16400] =	vst v63  }
0x9d: {  	s9 =	sadd.s32 $0x3000, s7  }
0x9e: {  	[hbm4b:s9+s3] =	stream.linear.scatter [tilespmem:s29], [sflag:$0x4], $0x400, $0x38;
	[tilespmem:$0x16400] =	vst v63  }
0x9f: {  	s6 =	sadd.s32 $0x1, s6;
	s10 =	sadd.s32 $0x4000, s7  }
0xa0: {  	[hbm4b:s10+s3] =	stream.linear.scatter [tilespmem:s30], [sflag:$0x4], $0x400, $0x38;
	[tilespmem:$0x16400] =	vst v63  }
0xa1: {  	p0 =	sne.s32 s6, $0x64;
	s9 =	sadd.s32 $0x5000, s7  }
0xa2: {  	[hbm4b:s9+s3] =	stream.linear.scatter [tilespmem:s31], [sflag:$0x4], $0x400, $0x38;
	[tilespmem:$0x16400] =	vst v63  }
.Ltmp5:
0xa3: {  	_ = 	snop;
	(pc) =	sbr.rel @p0 .LBB2_2-.Ltmp5, $4  }
0xa4: {  	s10 =	sadd.s32 $0x6000, s7  }
0xa5: {  	[hbm4b:s10+s3] =	stream.linear.scatter [tilespmem:s0], [sflag:$0x4], $0x400, $0x38;
	[tilespmem:$0x16400] =	vst v63  }
0xa6: {  	s7 =	sadd.s32 $0x7000, s7  }
0xa7: {  	[hbm4b:s7+s3] =	stream.linear.scatter [tilespmem:s2], [sflag:$0x4], $0x400, $0x38;
	[tilespmem:$0x16400] =	vst v63  }
0xa8: {  	s6 =	simm.s32 $0x3  }
0xa9: {  	_ =	swait.ge [sflag:s6], $0x2000  }
0xaa: {  	[sflag:s6] =	ssyncset.done $0x0  }
0xab: {  	[sflag:s6] =	ssyncadd.s32 $0xFFFFE000  }
0xac: {  	_ =	swait.ge [sflag:s24], $0x2000  }
0xad: {  	s7 =	rddreg [dreg:$0x6]  }
0xae: {  	s10 =	rddreg [dreg:$0x5];
	s7 =	sadd.s32 $0x1, s7  }
0xaf: {  	p0 =	sne.s32 s7, s10  }
.Ltmp6:
0xb0: {  	_ = 	snop;
	(pc) =	sbr.rel @p0 .LBB2_1-.Ltmp6, $3  }
0xb1: {  	_ =	sdelay $0x1  }
0xb2: {  	[sflag:s24] =	ssyncset.done $0x0  }
0xb3: {  	[sflag:s24] =	ssyncadd.s32 $0xFFFFE000  }
0xb4: {  	_ =	sfence.sel $0x180000  }
0xb5: {  	[bflag:$0x0] =	sbarrier.arrive $0xFFFF  }
0xb6: {  	_ =	strace $0x9000004A  }
0xb7: {  	s0 =	stileid.u32;
	[bflag:$0x2] =	sbarrier.arrive $0xFFFF  }
0xb8: {  	p0 =	sne.s32 s0, $0x0;
	s0 =	rddreg [dreg:$0x3]  }
0xb9: {  	s0 =	sadd.s32 @!p0 $0x100000, s0  }
0xba: {  	[sflag:s0] =	ssyncadd.tile.s32 @!p0 $0x1;
	_ =	shalt  }
.Lfunc_end2:
_tile_overlayer_lowered:
.L_overlay_start_2:
0xbb: {  	(tag) =	ssettag $0x2  }
0xbc: {  	s0 =	rddreg [dreg:$0x0];
	s2 =	stileid.u32  }
0xbd: {  	s1 =	rddreg [dreg:$0x1];
	p0 =	sne.s32 s2, $0x0  }
0xbe: {  	s3 =	rddreg [dreg:$0x2];
	[bflag:$0x3] =	sbarrier.arrive $0xFFFF;
	s2 =	simm.s32 @!p0 $0x1C05  }
0xbf: {  	[timem:s3], [sflag:s2] =	dma.local @!p0 [hbm:s0], s1  }
0xc0: {  	s0 =	simm.s32 @!p0 $0x5  }
0xc1: {  	_ =	swait.ge @!p0 [sflag:s0], s1  }
0xc2: {  	s1 =	ssub.s32 @!p0 $0x0, s1;
	[sflag:s0] =	ssyncset.done @!p0 $0x0  }
0xc3: {  	[sflag:s0] =	ssyncadd.s32 @!p0 s1  }
0xc4: {  	[bflag:$0x3] =	sbarrier.arrive $0xFFFF  }
0xc5: {  	_ =	shalt  }

</sc_bundles>
